<compile_context>
chip_gen: v7x
topology: tpu7x:2x2x1
jax: 0.10.2.dev20260603
libtpu: 0.0.44.dev20260713+nightly
codegen_flags: <defaults>
</compile_context>

<pallas_src>
import jax
import jax.numpy as jnp
from jax import lax
from jax.experimental import pallas as pl
from jax.experimental.pallas import tpu as pltpu
from jax.experimental.pallas import tpu_sc as plsc

_B, _N, _D, _K = 4, 2048, 128, 16
_BN = 256
_NBLK = _N // _BN

_NC, _NS, _L = 2, 16, 16
_NW = _NC * _NS
_RPT = (_B * _N) // _NW
_G = 16


def _topk_body(ctr_ref, aux_ref, ytab_ref, nbr_ref, coord_ref):
    b = pl.program_id(0)
    x = ctr_ref[0]
    aux = aux_ref[0]

    dist = aux[3:4, :]
    for c in range(3):
        d = x[:, c:c + 1] - aux[c:c + 1, :]
        dist = dist + d * d

    lanes = jax.lax.broadcasted_iota(jnp.int32, (_BN, _N), 1)
    lanes16 = jax.lax.broadcasted_iota(jnp.int32, (_BN, _K), 1)
    lanes128 = jax.lax.broadcasted_iota(jnp.int32, (_BN, 128), 1)
    sub128 = lanes128 & 7
    yacc = jnp.zeros((_BN, 128), jnp.float32)

    own = (pl.program_id(1) * _BN
           + jax.lax.broadcasted_iota(jnp.int32, (_BN, 1), 0))
    dist = jnp.where(lanes == own, jnp.inf, dist)
    nacc = jnp.where(lanes16 == 0, own, 0)

    for k in range(1, _K):
        m = jnp.min(dist, axis=1, keepdims=True)
        idx = jnp.min(jnp.where(dist == m, lanes, _N), axis=1,
                      keepdims=True)
        oh = lanes == idx
        dist = jnp.where(oh, jnp.inf, dist)
        nacc = jnp.where(lanes16 == k, idx, nacc)
        yacc = yacc + jax.lax.dot(
            oh.astype(jnp.bfloat16), ytab_ref[0, k],
            preferred_element_type=jnp.float32)

    y = yacc + jnp.roll(yacc, -3, axis=1)
    xs = jnp.zeros((_BN, 128), jnp.float32)
    for c in range(3):
        xs = jnp.where((sub128 == c) & (lanes128 >= 8),
                       x[:, c:c + 1], xs)
    delta = jnp.where(sub128 < 3, y - xs, 0.0)
    e = jnp.zeros((_BN, 128), jnp.float32)
    for s in range(-2, 3):
        rs = jnp.zeros((_BN, 128), jnp.float32)
        for cp in range(3):
            c = cp - s
            if 0 <= c <= 2:
                rs = jnp.where(sub128 == cp,
                               x[:, 16 + 3 * cp + c:17 + 3 * cp + c], rs)
        e = e + rs * (delta if s == 0 else jnp.roll(delta, s, axis=1))

    nbr_ref[...] = nacc + b * _N
    coord_ref[0] = e


def _sc_gather_body(nbr_hbm, attr_hbm, attrout_hbm, idx_v, obuf, gsem):
    wid = lax.axis_index("s") * _NC + lax.axis_index("c")
    r0 = wid * _RPT

    pltpu.sync_copy(nbr_hbm.at[pl.ds(r0, _RPT)], idx_v)

    def group(g, carry):
        base = g * _G
        copies = []
        for ii in range(_G):
            copies.append(pltpu.make_async_copy(
                attr_hbm.at[idx_v.at[base + ii]],
                obuf.at[pl.ds(ii * _L, _L)], gsem))
        for cp in copies:
            cp.start()
        for cp in copies:
            cp.wait()
        pltpu.sync_copy(obuf,
                        attrout_hbm.at[pl.ds((r0 + base) * _K, _G * _K)])
        return carry

    lax.fori_loop(0, _RPT // _G, group, 0)


@jax.jit
def kernel(frame, attributes, mask):
    B, N, D, K = _B, _N, _D, _K
    center = frame[:, :, 0]
    rot = frame[:, :, 1:4].reshape(B, N, 9)

    ctr_pad = jnp.zeros((B, N, 128), jnp.float32)
    ctr_pad = ctr_pad.at[:, :, 0:3].set(center).at[:, :, 16:25].set(rot)

    chi = center.astype(jnp.bfloat16)
    clo = (center - chi.astype(jnp.float32)).astype(jnp.bfloat16)
    blk = jnp.concatenate(
        [chi, clo, jnp.zeros((B, N, 2), jnp.bfloat16)], axis=-1)
    eye = jnp.eye(K, dtype=jnp.bfloat16)
    ytab16 = (eye[None, :, None, :, None]
              * blk[:, None, :, None, :]).reshape(B, K, N, 128)

    pen = (1.0 - mask[0][:, :, 1]) * 2000.0
    aux = jnp.zeros((B, 8, N), jnp.float32)
    aux = aux.at[:, 0:3, :].set(center.transpose(0, 2, 1))
    aux = aux.at[:, 3, :].set(pen)

    nbr, coords_pad = pl.pallas_call(
        _topk_body,
        grid=(B, _NBLK),
        in_specs=[
            pl.BlockSpec((1, _BN, 128), lambda b, i: (b, i, 0)),
            pl.BlockSpec((1, 8, N), lambda b, i: (b, 0, 0)),
            pl.BlockSpec((1, K, N, 128), lambda b, i: (b, 0, 0, 0)),
        ],
        out_specs=[
            pl.BlockSpec((_BN, K), lambda b, i: (b * _NBLK + i, 0)),
            pl.BlockSpec((1, _BN, 128), lambda b, i: (b, i, 0)),
        ],
        out_shape=[
            jax.ShapeDtypeStruct((B * N, K), jnp.int32),
            jax.ShapeDtypeStruct((B, N, 128), jnp.float32),
        ],
    )(ctr_pad, aux, ytab16)

    attr_flat = attributes.reshape(B * N, D)
    mesh = plsc.VectorSubcoreMesh(core_axis_name="c", subcore_axis_name="s")
    attrs_flat = pl.kernel(
        _sc_gather_body,
        out_type=jax.ShapeDtypeStruct((B * N * K, D), jnp.float32),
        mesh=mesh,
        scratch_types=[
            pltpu.VMEM((_RPT, 16), jnp.int32),
            pltpu.VMEM((_G * _L, D), jnp.float32),
            pltpu.SemaphoreType.DMA,
        ],
    )(nbr, attr_flat)

    attrs = attrs_flat.reshape(B, N, K, D)
    coords = coords_pad.reshape(B, N, K, 8)[..., :3]
    return (coords, attrs)

# --- scband reference (transcript-rebuilt; emitter-appended) ---
"""Pipeline reference for scband-neighborhood-computation-18090402250763 (READ-ONLY COPY).

The authoritative reference and input builder live on the scoring server;
editing this copy changes nothing except your own understanding.
"""

import jax, jax.numpy as jnp
import numpy as np


def _gather_nodes(values, neighbors):
    # values: [B, N, ...]; neighbors: [B, N, K] -> [B, N, K, ...]
    return jax.vmap(lambda v, idx: v[idx])(values, neighbors)


def setup_inputs(seed: int = 0) -> dict:
    key = jax.random.key(seed)
    k1, k2 = jax.random.split(key)
    B, N, D = 4, 2048, 128
    frame = jax.random.normal(k1, (B, N, 4, 3), dtype=jnp.float32)
    attributes = jax.random.normal(k2, (B, N, D), dtype=jnp.float32)
    mask = jnp.ones((1, B, N, 2), dtype=jnp.float32)
    return {"frame": frame, "attributes": attributes, "mask": mask}


def reference(frame, attributes, mask):
    # coordinates=['euclidian'], self_neighborhood=True, Kmax=16
    Kmax = 16
    big_distance = 1000.0
    # mask[0] -> [B, N, 2]; frame present so take channel 1 -> [B, N]
    first_mask = mask[0][:, :, 1]
    irrelevant_seconds = (1.0 - first_mask)[:, None, :]  # [B, 1, N]
    first_center = frame[:, :, 0]  # [B, N, 3]
    second_center = first_center
    # squared euclidean distance, ndims=3 -> [B, N, N]
    diff = first_center[:, :, None, :] - second_center[:, None, :, :]
    distance_square = jnp.sum(diff * diff, axis=-1)
    # original code adds the big-distance penalty twice
    distance_square = distance_square + irrelevant_seconds * big_distance
    distance_square = distance_square + irrelevant_seconds * big_distance
    # stable sort -> K nearest neighbor indices
    neighbors = jnp.argsort(distance_square, axis=-1)[:, :, :Kmax]  # [B, N, K]
    # gather attributes of neighbors
    neighbors_attributes = _gather_nodes(attributes, neighbors)  # [B, N, K, D]
    # euclidian local coordinates in each residue's frame
    nb_center = _gather_nodes(second_center, neighbors)  # [B, N, K, 3]
    delta = nb_center - first_center[:, :, None, :]  # [B, N, K, 3]
    # [B,N,K,1,3] * [B,N,1,3,3] -> sum over last dim -> [B,N,K,3]
    euclidian_coordinates = jnp.sum(
        delta[:, :, :, None, :] * frame[:, :, None, 1:4, :], axis=-1
    )
    return (euclidian_coordinates, neighbors_attributes)

if __name__ == "__main__":
    import jax
    _d = setup_inputs()
    print(jax.jit(kernel)(*tuple(_d.values())))

</pallas_src>

<mosaic_0001>
#map = affine_map<(d0, d1) -> (0, 0)>
module attributes {stable_mosaic.version = 14 : i64} {
  func.func @_sc_gather_body(%arg0: i32, %arg1: i32, %arg2: memref<8192x16xi32, #tpu.memory_space<hbm>>, %arg3: memref<8192x128xf32, #tpu.memory_space<hbm>>, %arg4: memref<131072x128xf32, #tpu.memory_space<hbm>>, %arg5: memref<256x16xi32, #tpu.memory_space<vmem>>, %arg6: memref<256x128xf32, #tpu.memory_space<vmem>>, %arg7: memref<!tpu.dma_semaphore, #tpu.memory_space<semaphore_mem>>) attributes {dimension_semantics = [#tpu.dimension_semantics<core_parallel>, #tpu.dimension_semantics<subcore_parallel>], iteration_bounds = array<i64: 2, 16>, scalar_prefetch = 0 : i64, scratch_operands = 3 : i64, tpu.core_type = #tpu.core_type<sc_vector_subcore>, window_params = [{transform_indices = #map}, {transform_indices = #map}, {transform_indices = #map}]} {
    %mul3A = arith.constant 2 : i32
    %mul3A_0 = arith.muli %arg1, %mul3A : i32
    %add3A = arith.addi %mul3A_0, %arg0 : i32
    %mul3A_1 = arith.constant 256 : i32
    %mul3A_2 = arith.muli %add3A, %mul3A_1 : i32
    "tpu.region"() ({
      %run_scoped3A = tpu.sem_alloc : memref<!tpu.dma_semaphore, #tpu.memory_space<semaphore_mem>>
      %dma_start3A = arith.constant 0 : i32
      %dma_start3A_8 = tpu.memref_slice %arg2[%mul3A_2, %dma_start3A] : memref<8192x16xi32, #tpu.memory_space<hbm>> -> memref<256x16xi32, #tpu.memory_space<hbm>>
      %dma_start3A_9 = arith.constant 0 : i32
      %dma_start3A_10 = tpu.memref_slice %arg2[%mul3A_2, %dma_start3A_9] : memref<8192x16xi32, #tpu.memory_space<hbm>> -> memref<256x16xi32, #tpu.memory_space<hbm>>
      tpu.enqueue_dma source(%dma_start3A_10 : memref<256x16xi32, #tpu.memory_space<hbm>>) target(%arg5 : memref<256x16xi32, #tpu.memory_space<vmem>>) target_semaphore(%run_scoped3A : memref<!tpu.dma_semaphore, #tpu.memory_space<semaphore_mem>>)
      %dma_wait3A = arith.constant 0 : i32
      %dma_wait3A_11 = tpu.memref_slice %arg2[%mul3A_2, %dma_wait3A] : memref<8192x16xi32, #tpu.memory_space<hbm>> -> memref<256x16xi32, #tpu.memory_space<hbm>>
      %dma_wait3A_12 = arith.constant 0 : i32
      %dma_wait3A_13 = tpu.memref_slice %arg2[%mul3A_2, %dma_wait3A_12] : memref<8192x16xi32, #tpu.memory_space<hbm>> -> memref<256x16xi32, #tpu.memory_space<hbm>>
      tpu.wait_dma2 semaphore(%run_scoped3A : memref<!tpu.dma_semaphore, #tpu.memory_space<semaphore_mem>>) src(%dma_wait3A_13 : memref<256x16xi32, #tpu.memory_space<hbm>>) dst(%arg5 : memref<256x16xi32, #tpu.memory_space<vmem>>)
      tpu.yield
    }) : () -> ()
    %scan3A = arith.constant 0 : i32
    %scan3A_3 = arith.constant 0 : i32
    %scan3A_4 = arith.constant 16 : i32
    %scan3A_5 = arith.addi %scan3A_3, %scan3A_4 : i32
    %scan3A_6 = arith.constant 1 : i32
    scf.for %scan3A_8 = %scan3A_3 to %scan3A_5 step %scan3A_6  : i32 {
      %mul3A_9 = arith.constant 16 : i32
      %mul3A_10 = arith.muli %scan3A_8, %mul3A_9 : i32
      %add3A_11 = arith.constant 0 : i32
      %add3A_12 = arith.addi %mul3A_10, %add3A_11 : i32
      %add3A_13 = arith.constant 1 : i32
      %add3A_14 = arith.addi %mul3A_10, %add3A_13 : i32
      %add3A_15 = arith.constant 2 : i32
      %add3A_16 = arith.addi %mul3A_10, %add3A_15 : i32
      %add3A_17 = arith.constant 3 : i32
      %add3A_18 = arith.addi %mul3A_10, %add3A_17 : i32
      %add3A_19 = arith.constant 4 : i32
      %add3A_20 = arith.addi %mul3A_10, %add3A_19 : i32
      %add3A_21 = arith.constant 5 : i32
      %add3A_22 = arith.addi %mul3A_10, %add3A_21 : i32
      %add3A_23 = arith.constant 6 : i32
      %add3A_24 = arith.addi %mul3A_10, %add3A_23 : i32
      %add3A_25 = arith.constant 7 : i32
      %add3A_26 = arith.addi %mul3A_10, %add3A_25 : i32
      %add3A_27 = arith.constant 8 : i32
      %add3A_28 = arith.addi %mul3A_10, %add3A_27 : i32
      %add3A_29 = arith.constant 9 : i32
      %add3A_30 = arith.addi %mul3A_10, %add3A_29 : i32
      %add3A_31 = arith.constant 10 : i32
      %add3A_32 = arith.addi %mul3A_10, %add3A_31 : i32
      %add3A_33 = arith.constant 11 : i32
      %add3A_34 = arith.addi %mul3A_10, %add3A_33 : i32
      %add3A_35 = arith.constant 12 : i32
      %add3A_36 = arith.addi %mul3A_10, %add3A_35 : i32
      %add3A_37 = arith.constant 13 : i32
      %add3A_38 = arith.addi %mul3A_10, %add3A_37 : i32
      %add3A_39 = arith.constant 14 : i32
      %add3A_40 = arith.addi %mul3A_10, %add3A_39 : i32
      %add3A_41 = arith.constant 15 : i32
      %add3A_42 = arith.addi %mul3A_10, %add3A_41 : i32
      %dma_start3A = arith.constant 0 : i32
      %dma_start3A_43 = arith.constant 0 : i32
      %dma_start3A_44 = tpu.memref_slice %arg6[%dma_start3A, %dma_start3A_43] : memref<256x128xf32, #tpu.memory_space<vmem>> -> memref<16x128xf32, #tpu.memory_space<vmem>>
      %dma_start3A_45 = arith.constant 0 : i32
      %dma_start3A_46 = tpu.memref_slice %arg5[%add3A_12, %dma_start3A_45] : memref<256x16xi32, #tpu.memory_space<vmem>> -> memref<1x16xi32, #tpu.memory_space<vmem>>
      %dma_start3A_47 = tpu.memref_squeeze %dma_start3A_46 : memref<1x16xi32, #tpu.memory_space<vmem>> -> memref<16xi32, #tpu.memory_space<vmem>>
      %dma_start3A_48 = arith.constant 0 : i32
      %dma_start3A_49 = arith.constant 0 : i32
      %dma_start3A_50 = tpu.memref_slice %arg3[%dma_start3A_48, %dma_start3A_49] : memref<8192x128xf32, #tpu.memory_space<hbm>> -> memref<8192x128xf32, #tpu.memory_space<hbm>>
      tpu.enqueue_indirect_dma source(%dma_start3A_50 : memref<8192x128xf32, #tpu.memory_space<hbm>>) target(%dma_start3A_44 : memref<16x128xf32, #tpu.memory_space<vmem>>) offsets(%dma_start3A_47 : memref<16xi32, #tpu.memory_space<vmem>>) semaphore(%arg7 : memref<!tpu.dma_semaphore, #tpu.memory_space<semaphore_mem>>)
      %dma_start3A_51 = arith.constant 16 : i32
      %dma_start3A_52 = arith.constant 0 : i32
      %dma_start3A_53 = tpu.memref_slice %arg6[%dma_start3A_51, %dma_start3A_52] : memref<256x128xf32, #tpu.memory_space<vmem>> -> memref<16x128xf32, #tpu.memory_space<vmem>>
      %dma_start3A_54 = arith.constant 0 : i32
      %dma_start3A_55 = tpu.memref_slice %arg5[%add3A_14, %dma_start3A_54] : memref<256x16xi32, #tpu.memory_space<vmem>> -> memref<1x16xi32, #tpu.memory_space<vmem>>
      %dma_start3A_56 = tpu.memref_squeeze %dma_start3A_55 : memref<1x16xi32, #tpu.memory_space<vmem>> -> memref<16xi32, #tpu.memory_space<vmem>>
      %dma_start3A_57 = arith.constant 0 : i32
      %dma_start3A_58 = arith.constant 0 : i32
      %dma_start3A_59 = tpu.memref_slice %arg3[%dma_start3A_57, %dma_start3A_58] : memref<8192x128xf32, #tpu.memory_space<hbm>> -> memref<8192x128xf32, #tpu.memory_space<hbm>>
      tpu.enqueue_indirect_dma source(%dma_start3A_59 : memref<8192x128xf32, #tpu.memory_space<hbm>>) target(%dma_start3A_53 : memref<16x128xf32, #tpu.memory_space<vmem>>) offsets(%dma_start3A_56 : memref<16xi32, #tpu.memory_space<vmem>>) semaphore(%arg7 : memref<!tpu.dma_semaphore, #tpu.memory_space<semaphore_mem>>)
      %dma_start3A_60 = arith.constant 32 : i32
      %dma_start3A_61 = arith.constant 0 : i32
      %dma_start3A_62 = tpu.memref_slice %arg6[%dma_start3A_60, %dma_start3A_61] : memref<256x128xf32, #tpu.memory_space<vmem>> -> memref<16x128xf32, #tpu.memory_space<vmem>>
      %dma_start3A_63 = arith.constant 0 : i32
      %dma_start3A_64 = tpu.memref_slice %arg5[%add3A_16, %dma_start3A_63] : memref<256x16xi32, #tpu.memory_space<vmem>> -> memref<1x16xi32, #tpu.memory_space<vmem>>
      %dma_start3A_65 = tpu.memref_squeeze %dma_start3A_64 : memref<1x16xi32, #tpu.memory_space<vmem>> -> memref<16xi32, #tpu.memory_space<vmem>>
      %dma_start3A_66 = arith.constant 0 : i32
      %dma_start3A_67 = arith.constant 0 : i32
      %dma_start3A_68 = tpu.memref_slice %arg3[%dma_start3A_66, %dma_start3A_67] : memref<8192x128xf32, #tpu.memory_space<hbm>> -> memref<8192x128xf32, #tpu.memory_space<hbm>>
      tpu.enqueue_indirect_dma source(%dma_start3A_68 : memref<8192x128xf32, #tpu.memory_space<hbm>>) target(%dma_start3A_62 : memref<16x128xf32, #tpu.memory_space<vmem>>) offsets(%dma_start3A_65 : memref<16xi32, #tpu.memory_space<vmem>>) semaphore(%arg7 : memref<!tpu.dma_semaphore, #tpu.memory_space<semaphore_mem>>)
      %dma_start3A_69 = arith.constant 48 : i32
      %dma_start3A_70 = arith.constant 0 : i32
      %dma_start3A_71 = tpu.memref_slice %arg6[%dma_start3A_69, %dma_start3A_70] : memref<256x128xf32, #tpu.memory_space<vmem>> -> memref<16x128xf32, #tpu.memory_space<vmem>>
      %dma_start3A_72 = arith.constant 0 : i32
      %dma_start3A_73 = tpu.memref_slice %arg5[%add3A_18, %dma_start3A_72] : memref<256x16xi32, #tpu.memory_space<vmem>> -> memref<1x16xi32, #tpu.memory_space<vmem>>
      %dma_start3A_74 = tpu.memref_squeeze %dma_start3A_73 : memref<1x16xi32, #tpu.memory_space<vmem>> -> memref<16xi32, #tpu.memory_space<vmem>>
      %dma_start3A_75 = arith.constant 0 : i32
      %dma_start3A_76 = arith.constant 0 : i32
      %dma_start3A_77 = tpu.memref_slice %arg3[%dma_start3A_75, %dma_start3A_76] : memref<8192x128xf32, #tpu.memory_space<hbm>> -> memref<8192x128xf32, #tpu.memory_space<hbm>>
      tpu.enqueue_indirect_dma source(%dma_start3A_77 : memref<8192x128xf32, #tpu.memory_space<hbm>>) target(%dma_start3A_71 : memref<16x128xf32, #tpu.memory_space<vmem>>) offsets(%dma_start3A_74 : memref<16xi32, #tpu.memory_space<vmem>>) semaphore(%arg7 : memref<!tpu.dma_semaphore, #tpu.memory_space<semaphore_mem>>)
      %dma_start3A_78 = arith.constant 64 : i32
      %dma_start3A_79 = arith.constant 0 : i32
      %dma_start3A_80 = tpu.memref_slice %arg6[%dma_start3A_78, %dma_start3A_79] : memref<256x128xf32, #tpu.memory_space<vmem>> -> memref<16x128xf32, #tpu.memory_space<vmem>>
      %dma_start3A_81 = arith.constant 0 : i32
      %dma_start3A_82 = tpu.memref_slice %arg5[%add3A_20, %dma_start3A_81] : memref<256x16xi32, #tpu.memory_space<vmem>> -> memref<1x16xi32, #tpu.memory_space<vmem>>
      %dma_start3A_83 = tpu.memref_squeeze %dma_start3A_82 : memref<1x16xi32, #tpu.memory_space<vmem>> -> memref<16xi32, #tpu.memory_space<vmem>>
      %dma_start3A_84 = arith.constant 0 : i32
      %dma_start3A_85 = arith.constant 0 : i32
      %dma_start3A_86 = tpu.memref_slice %arg3[%dma_start3A_84, %dma_start3A_85] : memref<8192x128xf32, #tpu.memory_space<hbm>> -> memref<8192x128xf32, #tpu.memory_space<hbm>>
      tpu.enqueue_indirect_dma source(%dma_start3A_86 : memref<8192x128xf32, #tpu.memory_space<hbm>>) target(%dma_start3A_80 : memref<16x128xf32, #tpu.memory_space<vmem>>) offsets(%dma_start3A_83 : memref<16xi32, #tpu.memory_space<vmem>>) semaphore(%arg7 : memref<!tpu.dma_semaphore, #tpu.memory_space<semaphore_mem>>)
      %dma_start3A_87 = arith.constant 80 : i32
      %dma_start3A_88 = arith.constant 0 : i32
      %dma_start3A_89 = tpu.memref_slice %arg6[%dma_start3A_87, %dma_start3A_88] : memref<256x128xf32, #tpu.memory_space<vmem>> -> memref<16x128xf32, #tpu.memory_space<vmem>>
      %dma_start3A_90 = arith.constant 0 : i32
      %dma_start3A_91 = tpu.memref_slice %arg5[%add3A_22, %dma_start3A_90] : memref<256x16xi32, #tpu.memory_space<vmem>> -> memref<1x16xi32, #tpu.memory_space<vmem>>
      %dma_start3A_92 = tpu.memref_squeeze %dma_start3A_91 : memref<1x16xi32, #tpu.memory_space<vmem>> -> memref<16xi32, #tpu.memory_space<vmem>>
      %dma_start3A_93 = arith.constant 0 : i32
      %dma_start3A_94 = arith.constant 0 : i32
      %dma_start3A_95 = tpu.memref_slice %arg3[%dma_start3A_93, %dma_start3A_94] : memref<8192x128xf32, #tpu.memory_space<hbm>> -> memref<8192x128xf32, #tpu.memory_space<hbm>>
      tpu.enqueue_indirect_dma source(%dma_start3A_95 : memref<8192x128xf32, #tpu.memory_space<hbm>>) target(%dma_start3A_89 : memref<16x128xf32, #tpu.memory_space<vmem>>) offsets(%dma_start3A_92 : memref<16xi32, #tpu.memory_space<vmem>>) semaphore(%arg7 : memref<!tpu.dma_semaphore, #tpu.memory_space<semaphore_mem>>)
      %dma_start3A_96 = arith.constant 96 : i32
      %dma_start3A_97 = arith.constant 0 : i32
      %dma_start3A_98 = tpu.memref_slice %arg6[%dma_start3A_96, %dma_start3A_97] : memref<256x128xf32, #tpu.memory_space<vmem>> -> memref<16x128xf32, #tpu.memory_space<vmem>>
      %dma_start3A_99 = arith.constant 0 : i32
      %dma_start3A_100 = tpu.memref_slice %arg5[%add3A_24, %dma_start3A_99] : memref<256x16xi32, #tpu.memory_space<vmem>> -> memref<1x16xi32, #tpu.memory_space<vmem>>
      %dma_start3A_101 = tpu.memref_squeeze %dma_start3A_100 : memref<1x16xi32, #tpu.memory_space<vmem>> -> memref<16xi32, #tpu.memory_space<vmem>>
      %dma_start3A_102 = arith.constant 0 : i32
      %dma_start3A_103 = arith.constant 0 : i32
      %dma_start3A_104 = tpu.memref_slice %arg3[%dma_start3A_102, %dma_start3A_103] : memref<8192x128xf32, #tpu.memory_space<hbm>> -> memref<8192x128xf32, #tpu.memory_space<hbm>>
      tpu.enqueue_indirect_dma source(%dma_start3A_104 : memref<8192x128xf32, #tpu.memory_space<hbm>>) target(%dma_start3A_98 : memref<16x128xf32, #tpu.memory_space<vmem>>) offsets(%dma_start3A_101 : memref<16xi32, #tpu.memory_space<vmem>>) semaphore(%arg7 : memref<!tpu.dma_semaphore, #tpu.memory_space<semaphore_mem>>)
      %dma_start3A_105 = arith.constant 112 : i32
      %dma_start3A_106 = arith.constant 0 : i32
      %dma_start3A_107 = tpu.memref_slice %arg6[%dma_start3A_105, %dma_start3A_106] : memref<256x128xf32, #tpu.memory_space<vmem>> -> memref<16x128xf32, #tpu.memory_space<vmem>>
      %dma_start3A_108 = arith.constant 0 : i32
      %dma_start3A_109 = tpu.memref_slice %arg5[%add3A_26, %dma_start3A_108] : memref<256x16xi32, #tpu.memory_space<vmem>> -> memref<1x16xi32, #tpu.memory_space<vmem>>
      %dma_start3A_110 = tpu.memref_squeeze %dma_start3A_109 : memref<1x16xi32, #tpu.memory_space<vmem>> -> memref<16xi32, #tpu.memory_space<vmem>>
      %dma_start3A_111 = arith.constant 0 : i32
      %dma_start3A_112 = arith.constant 0 : i32
      %dma_start3A_113 = tpu.memref_slice %arg3[%dma_start3A_111, %dma_start3A_112] : memref<8192x128xf32, #tpu.memory_space<hbm>> -> memref<8192x128xf32, #tpu.memory_space<hbm>>
      tpu.enqueue_indirect_dma source(%dma_start3A_113 : memref<8192x128xf32, #tpu.memory_space<hbm>>) target(%dma_start3A_107 : memref<16x128xf32, #tpu.memory_space<vmem>>) offsets(%dma_start3A_110 : memref<16xi32, #tpu.memory_space<vmem>>) semaphore(%arg7 : memref<!tpu.dma_semaphore, #tpu.memory_space<semaphore_mem>>)
      %dma_start3A_114 = arith.constant 128 : i32
      %dma_start3A_115 = arith.constant 0 : i32
      %dma_start3A_116 = tpu.memref_slice %arg6[%dma_start3A_114, %dma_start3A_115] : memref<256x128xf32, #tpu.memory_space<vmem>> -> memref<16x128xf32, #tpu.memory_space<vmem>>
      %dma_start3A_117 = arith.constant 0 : i32
      %dma_start3A_118 = tpu.memref_slice %arg5[%add3A_28, %dma_start3A_117] : memref<256x16xi32, #tpu.memory_space<vmem>> -> memref<1x16xi32, #tpu.memory_space<vmem>>
      %dma_start3A_119 = tpu.memref_squeeze %dma_start3A_118 : memref<1x16xi32, #tpu.memory_space<vmem>> -> memref<16xi32, #tpu.memory_space<vmem>>
      %dma_start3A_120 = arith.constant 0 : i32
      %dma_start3A_121 = arith.constant 0 : i32
      %dma_start3A_122 = tpu.memref_slice %arg3[%dma_start3A_120, %dma_start3A_121] : memref<8192x128xf32, #tpu.memory_space<hbm>> -> memref<8192x128xf32, #tpu.memory_space<hbm>>
      tpu.enqueue_indirect_dma source(%dma_start3A_122 : memref<8192x128xf32, #tpu.memory_space<hbm>>) target(%dma_start3A_116 : memref<16x128xf32, #tpu.memory_space<vmem>>) offsets(%dma_start3A_119 : memref<16xi32, #tpu.memory_space<vmem>>) semaphore(%arg7 : memref<!tpu.dma_semaphore, #tpu.memory_space<semaphore_mem>>)
      %dma_start3A_123 = arith.constant 144 : i32
      %dma_start3A_124 = arith.constant 0 : i32
      %dma_start3A_125 = tpu.memref_slice %arg6[%dma_start3A_123, %dma_start3A_124] : memref<256x128xf32, #tpu.memory_space<vmem>> -> memref<16x128xf32, #tpu.memory_space<vmem>>
      %dma_start3A_126 = arith.constant 0 : i32
      %dma_start3A_127 = tpu.memref_slice %arg5[%add3A_30, %dma_start3A_126] : memref<256x16xi32, #tpu.memory_space<vmem>> -> memref<1x16xi32, #tpu.memory_space<vmem>>
      %dma_start3A_128 = tpu.memref_squeeze %dma_start3A_127 : memref<1x16xi32, #tpu.memory_space<vmem>> -> memref<16xi32, #tpu.memory_space<vmem>>
      %dma_start3A_129 = arith.constant 0 : i32
      %dma_start3A_130 = arith.constant 0 : i32
      %dma_start3A_131 = tpu.memref_slice %arg3[%dma_start3A_129, %dma_start3A_130] : memref<8192x128xf32, #tpu.memory_space<hbm>> -> memref<8192x128xf32, #tpu.memory_space<hbm>>
      tpu.enqueue_indirect_dma source(%dma_start3A_131 : memref<8192x128xf32, #tpu.memory_space<hbm>>) target(%dma_start3A_125 : memref<16x128xf32, #tpu.memory_space<vmem>>) offsets(%dma_start3A_128 : memref<16xi32, #tpu.memory_space<vmem>>) semaphore(%arg7 : memref<!tpu.dma_semaphore, #tpu.memory_space<semaphore_mem>>)
      %dma_start3A_132 = arith.constant 160 : i32
      %dma_start3A_133 = arith.constant 0 : i32
      %dma_start3A_134 = tpu.memref_slice %arg6[%dma_start3A_132, %dma_start3A_133] : memref<256x128xf32, #tpu.memory_space<vmem>> -> memref<16x128xf32, #tpu.memory_space<vmem>>
      %dma_start3A_135 = arith.constant 0 : i32
      %dma_start3A_136 = tpu.memref_slice %arg5[%add3A_32, %dma_start3A_135] : memref<256x16xi32, #tpu.memory_space<vmem>> -> memref<1x16xi32, #tpu.memory_space<vmem>>
      %dma_start3A_137 = tpu.memref_squeeze %dma_start3A_136 : memref<1x16xi32, #tpu.memory_space<vmem>> -> memref<16xi32, #tpu.memory_space<vmem>>
      %dma_start3A_138 = arith.constant 0 : i32
      %dma_start3A_139 = arith.constant 0 : i32
      %dma_start3A_140 = tpu.memref_slice %arg3[%dma_start3A_138, %dma_start3A_139] : memref<8192x128xf32, #tpu.memory_space<hbm>> -> memref<8192x128xf32, #tpu.memory_space<hbm>>
      tpu.enqueue_indirect_dma source(%dma_start3A_140 : memref<8192x128xf32, #tpu.memory_space<hbm>>) target(%dma_start3A_134 : memref<16x128xf32, #tpu.memory_space<vmem>>) offsets(%dma_start3A_137 : memref<16xi32, #tpu.memory_space<vmem>>) semaphore(%arg7 : memref<!tpu.dma_semaphore, #tpu.memory_space<semaphore_mem>>)
      %dma_start3A_141 = arith.constant 176 : i32
      %dma_start3A_142 = arith.constant 0 : i32
      %dma_start3A_143 = tpu.memref_slice %arg6[%dma_start3A_141, %dma_start3A_142] : memref<256x128xf32, #tpu.memory_space<vmem>> -> memref<16x128xf32, #tpu.memory_space<vmem>>
      %dma_start3A_144 = arith.constant 0 : i32
      %dma_start3A_145 = tpu.memref_slice %arg5[%add3A_34, %dma_start3A_144] : memref<256x16xi32, #tpu.memory_space<vmem>> -> memref<1x16xi32, #tpu.memory_space<vmem>>
      %dma_start3A_146 = tpu.memref_squeeze %dma_start3A_145 : memref<1x16xi32, #tpu.memory_space<vmem>> -> memref<16xi32, #tpu.memory_space<vmem>>
      %dma_start3A_147 = arith.constant 0 : i32
      %dma_start3A_148 = arith.constant 0 : i32
      %dma_start3A_149 = tpu.memref_slice %arg3[%dma_start3A_147, %dma_start3A_148] : memref<8192x128xf32, #tpu.memory_space<hbm>> -> memref<8192x128xf32, #tpu.memory_space<hbm>>
      tpu.enqueue_indirect_dma source(%dma_start3A_149 : memref<8192x128xf32, #tpu.memory_space<hbm>>) target(%dma_start3A_143 : memref<16x128xf32, #tpu.memory_space<vmem>>) offsets(%dma_start3A_146 : memref<16xi32, #tpu.memory_space<vmem>>) semaphore(%arg7 : memref<!tpu.dma_semaphore, #tpu.memory_space<semaphore_mem>>)
      %dma_start3A_150 = arith.constant 192 : i32
      %dma_start3A_151 = arith.constant 0 : i32
      %dma_start3A_152 = tpu.memref_slice %arg6[%dma_start3A_150, %dma_start3A_151] : memref<256x128xf32, #tpu.memory_space<vmem>> -> memref<16x128xf32, #tpu.memory_space<vmem>>
      %dma_start3A_153 = arith.constant 0 : i32
      %dma_start3A_154 = tpu.memref_slice %arg5[%add3A_36, %dma_start3A_153] : memref<256x16xi32, #tpu.memory_space<vmem>> -> memref<1x16xi32, #tpu.memory_space<vmem>>
      %dma_start3A_155 = tpu.memref_squeeze %dma_start3A_154 : memref<1x16xi32, #tpu.memory_space<vmem>> -> memref<16xi32, #tpu.memory_space<vmem>>
      %dma_start3A_156 = arith.constant 0 : i32
      %dma_start3A_157 = arith.constant 0 : i32
      %dma_start3A_158 = tpu.memref_slice %arg3[%dma_start3A_156, %dma_start3A_157] : memref<8192x128xf32, #tpu.memory_space<hbm>> -> memref<8192x128xf32, #tpu.memory_space<hbm>>
      tpu.enqueue_indirect_dma source(%dma_start3A_158 : memref<8192x128xf32, #tpu.memory_space<hbm>>) target(%dma_start3A_152 : memref<16x128xf32, #tpu.memory_space<vmem>>) offsets(%dma_start3A_155 : memref<16xi32, #tpu.memory_space<vmem>>) semaphore(%arg7 : memref<!tpu.dma_semaphore, #tpu.memory_space<semaphore_mem>>)
      %dma_start3A_159 = arith.constant 208 : i32
      %dma_start3A_160 = arith.constant 0 : i32
      %dma_start3A_161 = tpu.memref_slice %arg6[%dma_start3A_159, %dma_start3A_160] : memref<256x128xf32, #tpu.memory_space<vmem>> -> memref<16x128xf32, #tpu.memory_space<vmem>>
      %dma_start3A_162 = arith.constant 0 : i32
      %dma_start3A_163 = tpu.memref_slice %arg5[%add3A_38, %dma_start3A_162] : memref<256x16xi32, #tpu.memory_space<vmem>> -> memref<1x16xi32, #tpu.memory_space<vmem>>
      %dma_start3A_164 = tpu.memref_squeeze %dma_start3A_163 : memref<1x16xi32, #tpu.memory_space<vmem>> -> memref<16xi32, #tpu.memory_space<vmem>>
      %dma_start3A_165 = arith.constant 0 : i32
      %dma_start3A_166 = arith.constant 0 : i32
      %dma_start3A_167 = tpu.memref_slice %arg3[%dma_start3A_165, %dma_start3A_166] : memref<8192x128xf32, #tpu.memory_space<hbm>> -> memref<8192x128xf32, #tpu.memory_space<hbm>>
      tpu.enqueue_indirect_dma source(%dma_start3A_167 : memref<8192x128xf32, #tpu.memory_space<hbm>>) target(%dma_start3A_161 : memref<16x128xf32, #tpu.memory_space<vmem>>) offsets(%dma_start3A_164 : memref<16xi32, #tpu.memory_space<vmem>>) semaphore(%arg7 : memref<!tpu.dma_semaphore, #tpu.memory_space<semaphore_mem>>)
      %dma_start3A_168 = arith.constant 224 : i32
      %dma_start3A_169 = arith.constant 0 : i32
      %dma_start3A_170 = tpu.memref_slice %arg6[%dma_start3A_168, %dma_start3A_169] : memref<256x128xf32, #tpu.memory_space<vmem>> -> memref<16x128xf32, #tpu.memory_space<vmem>>
      %dma_start3A_171 = arith.constant 0 : i32
      %dma_start3A_172 = tpu.memref_slice %arg5[%add3A_40, %dma_start3A_171] : memref<256x16xi32, #tpu.memory_space<vmem>> -> memref<1x16xi32, #tpu.memory_space<vmem>>
      %dma_start3A_173 = tpu.memref_squeeze %dma_start3A_172 : memref<1x16xi32, #tpu.memory_space<vmem>> -> memref<16xi32, #tpu.memory_space<vmem>>
      %dma_start3A_174 = arith.constant 0 : i32
      %dma_start3A_175 = arith.constant 0 : i32
      %dma_start3A_176 = tpu.memref_slice %arg3[%dma_start3A_174, %dma_start3A_175] : memref<8192x128xf32, #tpu.memory_space<hbm>> -> memref<8192x128xf32, #tpu.memory_space<hbm>>
      tpu.enqueue_indirect_dma source(%dma_start3A_176 : memref<8192x128xf32, #tpu.memory_space<hbm>>) target(%dma_start3A_170 : memref<16x128xf32, #tpu.memory_space<vmem>>) offsets(%dma_start3A_173 : memref<16xi32, #tpu.memory_space<vmem>>) semaphore(%arg7 : memref<!tpu.dma_semaphore, #tpu.memory_space<semaphore_mem>>)
      %dma_start3A_177 = arith.constant 240 : i32
      %dma_start3A_178 = arith.constant 0 : i32
      %dma_start3A_179 = tpu.memref_slice %arg6[%dma_start3A_177, %dma_start3A_178] : memref<256x128xf32, #tpu.memory_space<vmem>> -> memref<16x128xf32, #tpu.memory_space<vmem>>
      %dma_start3A_180 = arith.constant 0 : i32
      %dma_start3A_181 = tpu.memref_slice %arg5[%add3A_42, %dma_start3A_180] : memref<256x16xi32, #tpu.memory_space<vmem>> -> memref<1x16xi32, #tpu.memory_space<vmem>>
      %dma_start3A_182 = tpu.memref_squeeze %dma_start3A_181 : memref<1x16xi32, #tpu.memory_space<vmem>> -> memref<16xi32, #tpu.memory_space<vmem>>
      %dma_start3A_183 = arith.constant 0 : i32
      %dma_start3A_184 = arith.constant 0 : i32
      %dma_start3A_185 = tpu.memref_slice %arg3[%dma_start3A_183, %dma_start3A_184] : memref<8192x128xf32, #tpu.memory_space<hbm>> -> memref<8192x128xf32, #tpu.memory_space<hbm>>
      tpu.enqueue_indirect_dma source(%dma_start3A_185 : memref<8192x128xf32, #tpu.memory_space<hbm>>) target(%dma_start3A_179 : memref<16x128xf32, #tpu.memory_space<vmem>>) offsets(%dma_start3A_182 : memref<16xi32, #tpu.memory_space<vmem>>) semaphore(%arg7 : memref<!tpu.dma_semaphore, #tpu.memory_space<semaphore_mem>>)
      %dma_wait3A = arith.constant 0 : i32
      %dma_wait3A_186 = arith.constant 0 : i32
      %dma_wait3A_187 = tpu.memref_slice %arg6[%dma_wait3A, %dma_wait3A_186] : memref<256x128xf32, #tpu.memory_space<vmem>> -> memref<16x128xf32, #tpu.memory_space<vmem>>
      %dma_wait3A_188 = arith.constant 0 : i32
      %dma_wait3A_189 = tpu.memref_slice %arg5[%add3A_12, %dma_wait3A_188] : memref<256x16xi32, #tpu.memory_space<vmem>> -> memref<1x16xi32, #tpu.memory_space<vmem>>
      %dma_wait3A_190 = tpu.memref_squeeze %dma_wait3A_189 : memref<1x16xi32, #tpu.memory_space<vmem>> -> memref<16xi32, #tpu.memory_space<vmem>>
      %dma_wait3A_191 = arith.constant 0 : i32
      %dma_wait3A_192 = arith.constant 0 : i32
      %dma_wait3A_193 = tpu.memref_slice %arg3[%dma_wait3A_191, %dma_wait3A_192] : memref<8192x128xf32, #tpu.memory_space<hbm>> -> memref<8192x128xf32, #tpu.memory_space<hbm>>
      tpu.wait_indirect_dma semaphore(%arg7 : memref<!tpu.dma_semaphore, #tpu.memory_space<semaphore_mem>>) src(%dma_wait3A_193 : memref<8192x128xf32, #tpu.memory_space<hbm>>) dst(%dma_wait3A_187 : memref<16x128xf32, #tpu.memory_space<vmem>>)
      %dma_wait3A_194 = arith.constant 16 : i32
      %dma_wait3A_195 = arith.constant 0 : i32
      %dma_wait3A_196 = tpu.memref_slice %arg6[%dma_wait3A_194, %dma_wait3A_195] : memref<256x128xf32, #tpu.memory_space<vmem>> -> memref<16x128xf32, #tpu.memory_space<vmem>>
      %dma_wait3A_197 = arith.constant 0 : i32
      %dma_wait3A_198 = tpu.memref_slice %arg5[%add3A_14, %dma_wait3A_197] : memref<256x16xi32, #tpu.memory_space<vmem>> -> memref<1x16xi32, #tpu.memory_space<vmem>>
      %dma_wait3A_199 = tpu.memref_squeeze %dma_wait3A_198 : memref<1x16xi32, #tpu.memory_space<vmem>> -> memref<16xi32, #tpu.memory_space<vmem>>
      %dma_wait3A_200 = arith.constant 0 : i32
      %dma_wait3A_201 = arith.constant 0 : i32
      %dma_wait3A_202 = tpu.memref_slice %arg3[%dma_wait3A_200, %dma_wait3A_201] : memref<8192x128xf32, #tpu.memory_space<hbm>> -> memref<8192x128xf32, #tpu.memory_space<hbm>>
      tpu.wait_indirect_dma semaphore(%arg7 : memref<!tpu.dma_semaphore, #tpu.memory_space<semaphore_mem>>) src(%dma_wait3A_202 : memref<8192x128xf32, #tpu.memory_space<hbm>>) dst(%dma_wait3A_196 : memref<16x128xf32, #tpu.memory_space<vmem>>)
      %dma_wait3A_203 = arith.constant 32 : i32
      %dma_wait3A_204 = arith.constant 0 : i32
      %dma_wait3A_205 = tpu.memref_slice %arg6[%dma_wait3A_203, %dma_wait3A_204] : memref<256x128xf32, #tpu.memory_space<vmem>> -> memref<16x128xf32, #tpu.memory_space<vmem>>
      %dma_wait3A_206 = arith.constant 0 : i32
      %dma_wait3A_207 = tpu.memref_slice %arg5[%add3A_16, %dma_wait3A_206] : memref<256x16xi32, #tpu.memory_space<vmem>> -> memref<1x16xi32, #tpu.memory_space<vmem>>
      %dma_wait3A_208 = tpu.memref_squeeze %dma_wait3A_207 : memref<1x16xi32, #tpu.memory_space<vmem>> -> memref<16xi32, #tpu.memory_space<vmem>>
      %dma_wait3A_209 = arith.constant 0 : i32
      %dma_wait3A_210 = arith.constant 0 : i32
      %dma_wait3A_211 = tpu.memref_slice %arg3[%dma_wait3A_209, %dma_wait3A_210] : memref<8192x128xf32, #tpu.memory_space<hbm>> -> memref<8192x128xf32, #tpu.memory_space<hbm>>
      tpu.wait_indirect_dma semaphore(%arg7 : memref<!tpu.dma_semaphore, #tpu.memory_space<semaphore_mem>>) src(%dma_wait3A_211 : memref<8192x128xf32, #tpu.memory_space<hbm>>) dst(%dma_wait3A_205 : memref<16x128xf32, #tpu.memory_space<vmem>>)
      %dma_wait3A_212 = arith.constant 48 : i32
      %dma_wait3A_213 = arith.constant 0 : i32
      %dma_wait3A_214 = tpu.memref_slice %arg6[%dma_wait3A_212, %dma_wait3A_213] : memref<256x128xf32, #tpu.memory_space<vmem>> -> memref<16x128xf32, #tpu.memory_space<vmem>>
      %dma_wait3A_215 = arith.constant 0 : i32
      %dma_wait3A_216 = tpu.memref_slice %arg5[%add3A_18, %dma_wait3A_215] : memref<256x16xi32, #tpu.memory_space<vmem>> -> memref<1x16xi32, #tpu.memory_space<vmem>>
      %dma_wait3A_217 = tpu.memref_squeeze %dma_wait3A_216 : memref<1x16xi32, #tpu.memory_space<vmem>> -> memref<16xi32, #tpu.memory_space<vmem>>
      %dma_wait3A_218 = arith.constant 0 : i32
      %dma_wait3A_219 = arith.constant 0 : i32
      %dma_wait3A_220 = tpu.memref_slice %arg3[%dma_wait3A_218, %dma_wait3A_219] : memref<8192x128xf32, #tpu.memory_space<hbm>> -> memref<8192x128xf32, #tpu.memory_space<hbm>>
      tpu.wait_indirect_dma semaphore(%arg7 : memref<!tpu.dma_semaphore, #tpu.memory_space<semaphore_mem>>) src(%dma_wait3A_220 : memref<8192x128xf32, #tpu.memory_space<hbm>>) dst(%dma_wait3A_214 : memref<16x128xf32, #tpu.memory_space<vmem>>)
      %dma_wait3A_221 = arith.constant 64 : i32
      %dma_wait3A_222 = arith.constant 0 : i32
      %dma_wait3A_223 = tpu.memref_slice %arg6[%dma_wait3A_221, %dma_wait3A_222] : memref<256x128xf32, #tpu.memory_space<vmem>> -> memref<16x128xf32, #tpu.memory_space<vmem>>
      %dma_wait3A_224 = arith.constant 0 : i32
      %dma_wait3A_225 = tpu.memref_slice %arg5[%add3A_20, %dma_wait3A_224] : memref<256x16xi32, #tpu.memory_space<vmem>> -> memref<1x16xi32, #tpu.memory_space<vmem>>
      %dma_wait3A_226 = tpu.memref_squeeze %dma_wait3A_225 : memref<1x16xi32, #tpu.memory_space<vmem>> -> memref<16xi32, #tpu.memory_space<vmem>>
      %dma_wait3A_227 = arith.constant 0 : i32
      %dma_wait3A_228 = arith.constant 0 : i32
      %dma_wait3A_229 = tpu.memref_slice %arg3[%dma_wait3A_227, %dma_wait3A_228] : memref<8192x128xf32, #tpu.memory_space<hbm>> -> memref<8192x128xf32, #tpu.memory_space<hbm>>
      tpu.wait_indirect_dma semaphore(%arg7 : memref<!tpu.dma_semaphore, #tpu.memory_space<semaphore_mem>>) src(%dma_wait3A_229 : memref<8192x128xf32, #tpu.memory_space<hbm>>) dst(%dma_wait3A_223 : memref<16x128xf32, #tpu.memory_space<vmem>>)
      %dma_wait3A_230 = arith.constant 80 : i32
      %dma_wait3A_231 = arith.constant 0 : i32
      %dma_wait3A_232 = tpu.memref_slice %arg6[%dma_wait3A_230, %dma_wait3A_231] : memref<256x128xf32, #tpu.memory_space<vmem>> -> memref<16x128xf32, #tpu.memory_space<vmem>>
      %dma_wait3A_233 = arith.constant 0 : i32
      %dma_wait3A_234 = tpu.memref_slice %arg5[%add3A_22, %dma_wait3A_233] : memref<256x16xi32, #tpu.memory_space<vmem>> -> memref<1x16xi32, #tpu.memory_space<vmem>>
      %dma_wait3A_235 = tpu.memref_squeeze %dma_wait3A_234 : memref<1x16xi32, #tpu.memory_space<vmem>> -> memref<16xi32, #tpu.memory_space<vmem>>
      %dma_wait3A_236 = arith.constant 0 : i32
      %dma_wait3A_237 = arith.constant 0 : i32
      %dma_wait3A_238 = tpu.memref_slice %arg3[%dma_wait3A_236, %dma_wait3A_237] : memref<8192x128xf32, #tpu.memory_space<hbm>> -> memref<8192x128xf32, #tpu.memory_space<hbm>>
      tpu.wait_indirect_dma semaphore(%arg7 : memref<!tpu.dma_semaphore, #tpu.memory_space<semaphore_mem>>) src(%dma_wait3A_238 : memref<8192x128xf32, #tpu.memory_space<hbm>>) dst(%dma_wait3A_232 : memref<16x128xf32, #tpu.memory_space<vmem>>)
      %dma_wait3A_239 = arith.constant 96 : i32
      %dma_wait3A_240 = arith.constant 0 : i32
      %dma_wait3A_241 = tpu.memref_slice %arg6[%dma_wait3A_239, %dma_wait3A_240] : memref<256x128xf32, #tpu.memory_space<vmem>> -> memref<16x128xf32, #tpu.memory_space<vmem>>
      %dma_wait3A_242 = arith.constant 0 : i32
      %dma_wait3A_243 = tpu.memref_slice %arg5[%add3A_24, %dma_wait3A_242] : memref<256x16xi32, #tpu.memory_space<vmem>> -> memref<1x16xi32, #tpu.memory_space<vmem>>
      %dma_wait3A_244 = tpu.memref_squeeze %dma_wait3A_243 : memref<1x16xi32, #tpu.memory_space<vmem>> -> memref<16xi32, #tpu.memory_space<vmem>>
      %dma_wait3A_245 = arith.constant 0 : i32
      %dma_wait3A_246 = arith.constant 0 : i32
      %dma_wait3A_247 = tpu.memref_slice %arg3[%dma_wait3A_245, %dma_wait3A_246] : memref<8192x128xf32, #tpu.memory_space<hbm>> -> memref<8192x128xf32, #tpu.memory_space<hbm>>
      tpu.wait_indirect_dma semaphore(%arg7 : memref<!tpu.dma_semaphore, #tpu.memory_space<semaphore_mem>>) src(%dma_wait3A_247 : memref<8192x128xf32, #tpu.memory_space<hbm>>) dst(%dma_wait3A_241 : memref<16x128xf32, #tpu.memory_space<vmem>>)
      %dma_wait3A_248 = arith.constant 112 : i32
      %dma_wait3A_249 = arith.constant 0 : i32
      %dma_wait3A_250 = tpu.memref_slice %arg6[%dma_wait3A_248, %dma_wait3A_249] : memref<256x128xf32, #tpu.memory_space<vmem>> -> memref<16x128xf32, #tpu.memory_space<vmem>>
      %dma_wait3A_251 = arith.constant 0 : i32
      %dma_wait3A_252 = tpu.memref_slice %arg5[%add3A_26, %dma_wait3A_251] : memref<256x16xi32, #tpu.memory_space<vmem>> -> memref<1x16xi32, #tpu.memory_space<vmem>>
      %dma_wait3A_253 = tpu.memref_squeeze %dma_wait3A_252 : memref<1x16xi32, #tpu.memory_space<vmem>> -> memref<16xi32, #tpu.memory_space<vmem>>
      %dma_wait3A_254 = arith.constant 0 : i32
      %dma_wait3A_255 = arith.constant 0 : i32
      %dma_wait3A_256 = tpu.memref_slice %arg3[%dma_wait3A_254, %dma_wait3A_255] : memref<8192x128xf32, #tpu.memory_space<hbm>> -> memref<8192x128xf32, #tpu.memory_space<hbm>>
      tpu.wait_indirect_dma semaphore(%arg7 : memref<!tpu.dma_semaphore, #tpu.memory_space<semaphore_mem>>) src(%dma_wait3A_256 : memref<8192x128xf32, #tpu.memory_space<hbm>>) dst(%dma_wait3A_250 : memref<16x128xf32, #tpu.memory_space<vmem>>)
      %dma_wait3A_257 = arith.constant 128 : i32
      %dma_wait3A_258 = arith.constant 0 : i32
      %dma_wait3A_259 = tpu.memref_slice %arg6[%dma_wait3A_257, %dma_wait3A_258] : memref<256x128xf32, #tpu.memory_space<vmem>> -> memref<16x128xf32, #tpu.memory_space<vmem>>
      %dma_wait3A_260 = arith.constant 0 : i32
      %dma_wait3A_261 = tpu.memref_slice %arg5[%add3A_28, %dma_wait3A_260] : memref<256x16xi32, #tpu.memory_space<vmem>> -> memref<1x16xi32, #tpu.memory_space<vmem>>
      %dma_wait3A_262 = tpu.memref_squeeze %dma_wait3A_261 : memref<1x16xi32, #tpu.memory_space<vmem>> -> memref<16xi32, #tpu.memory_space<vmem>>
      %dma_wait3A_263 = arith.constant 0 : i32
      %dma_wait3A_264 = arith.constant 0 : i32
      %dma_wait3A_265 = tpu.memref_slice %arg3[%dma_wait3A_263, %dma_wait3A_264] : memref<8192x128xf32, #tpu.memory_space<hbm>> -> memref<8192x128xf32, #tpu.memory_space<hbm>>
      tpu.wait_indirect_dma semaphore(%arg7 : memref<!tpu.dma_semaphore, #tpu.memory_space<semaphore_mem>>) src(%dma_wait3A_265 : memref<8192x128xf32, #tpu.memory_space<hbm>>) dst(%dma_wait3A_259 : memref<16x128xf32, #tpu.memory_space<vmem>>)
      %dma_wait3A_266 = arith.constant 144 : i32
      %dma_wait3A_267 = arith.constant 0 : i32
      %dma_wait3A_268 = tpu.memref_slice %arg6[%dma_wait3A_266, %dma_wait3A_267] : memref<256x128xf32, #tpu.memory_space<vmem>> -> memref<16x128xf32, #tpu.memory_space<vmem>>
      %dma_wait3A_269 = arith.constant 0 : i32
      %dma_wait3A_270 = tpu.memref_slice %arg5[%add3A_30, %dma_wait3A_269] : memref<256x16xi32, #tpu.memory_space<vmem>> -> memref<1x16xi32, #tpu.memory_space<vmem>>
      %dma_wait3A_271 = tpu.memref_squeeze %dma_wait3A_270 : memref<1x16xi32, #tpu.memory_space<vmem>> -> memref<16xi32, #tpu.memory_space<vmem>>
      %dma_wait3A_272 = arith.constant 0 : i32
      %dma_wait3A_273 = arith.constant 0 : i32
      %dma_wait3A_274 = tpu.memref_slice %arg3[%dma_wait3A_272, %dma_wait3A_273] : memref<8192x128xf32, #tpu.memory_space<hbm>> -> memref<8192x128xf32, #tpu.memory_space<hbm>>
      tpu.wait_indirect_dma semaphore(%arg7 : memref<!tpu.dma_semaphore, #tpu.memory_space<semaphore_mem>>) src(%dma_wait3A_274 : memref<8192x128xf32, #tpu.memory_space<hbm>>) dst(%dma_wait3A_268 : memref<16x128xf32, #tpu.memory_space<vmem>>)
      %dma_wait3A_275 = arith.constant 160 : i32
      %dma_wait3A_276 = arith.constant 0 : i32
      %dma_wait3A_277 = tpu.memref_slice %arg6[%dma_wait3A_275, %dma_wait3A_276] : memref<256x128xf32, #tpu.memory_space<vmem>> -> memref<16x128xf32, #tpu.memory_space<vmem>>
      %dma_wait3A_278 = arith.constant 0 : i32
      %dma_wait3A_279 = tpu.memref_slice %arg5[%add3A_32, %dma_wait3A_278] : memref<256x16xi32, #tpu.memory_space<vmem>> -> memref<1x16xi32, #tpu.memory_space<vmem>>
      %dma_wait3A_280 = tpu.memref_squeeze %dma_wait3A_279 : memref<1x16xi32, #tpu.memory_space<vmem>> -> memref<16xi32, #tpu.memory_space<vmem>>
      %dma_wait3A_281 = arith.constant 0 : i32
      %dma_wait3A_282 = arith.constant 0 : i32
      %dma_wait3A_283 = tpu.memref_slice %arg3[%dma_wait3A_281, %dma_wait3A_282] : memref<8192x128xf32, #tpu.memory_space<hbm>> -> memref<8192x128xf32, #tpu.memory_space<hbm>>
      tpu.wait_indirect_dma semaphore(%arg7 : memref<!tpu.dma_semaphore, #tpu.memory_space<semaphore_mem>>) src(%dma_wait3A_283 : memref<8192x128xf32, #tpu.memory_space<hbm>>) dst(%dma_wait3A_277 : memref<16x128xf32, #tpu.memory_space<vmem>>)
      %dma_wait3A_284 = arith.constant 176 : i32
      %dma_wait3A_285 = arith.constant 0 : i32
      %dma_wait3A_286 = tpu.memref_slice %arg6[%dma_wait3A_284, %dma_wait3A_285] : memref<256x128xf32, #tpu.memory_space<vmem>> -> memref<16x128xf32, #tpu.memory_space<vmem>>
      %dma_wait3A_287 = arith.constant 0 : i32
      %dma_wait3A_288 = tpu.memref_slice %arg5[%add3A_34, %dma_wait3A_287] : memref<256x16xi32, #tpu.memory_space<vmem>> -> memref<1x16xi32, #tpu.memory_space<vmem>>
      %dma_wait3A_289 = tpu.memref_squeeze %dma_wait3A_288 : memref<1x16xi32, #tpu.memory_space<vmem>> -> memref<16xi32, #tpu.memory_space<vmem>>
      %dma_wait3A_290 = arith.constant 0 : i32
      %dma_wait3A_291 = arith.constant 0 : i32
      %dma_wait3A_292 = tpu.memref_slice %arg3[%dma_wait3A_290, %dma_wait3A_291] : memref<8192x128xf32, #tpu.memory_space<hbm>> -> memref<8192x128xf32, #tpu.memory_space<hbm>>
      tpu.wait_indirect_dma semaphore(%arg7 : memref<!tpu.dma_semaphore, #tpu.memory_space<semaphore_mem>>) src(%dma_wait3A_292 : memref<8192x128xf32, #tpu.memory_space<hbm>>) dst(%dma_wait3A_286 : memref<16x128xf32, #tpu.memory_space<vmem>>)
      %dma_wait3A_293 = arith.constant 192 : i32
      %dma_wait3A_294 = arith.constant 0 : i32
      %dma_wait3A_295 = tpu.memref_slice %arg6[%dma_wait3A_293, %dma_wait3A_294] : memref<256x128xf32, #tpu.memory_space<vmem>> -> memref<16x128xf32, #tpu.memory_space<vmem>>
      %dma_wait3A_296 = arith.constant 0 : i32
      %dma_wait3A_297 = tpu.memref_slice %arg5[%add3A_36, %dma_wait3A_296] : memref<256x16xi32, #tpu.memory_space<vmem>> -> memref<1x16xi32, #tpu.memory_space<vmem>>
      %dma_wait3A_298 = tpu.memref_squeeze %dma_wait3A_297 : memref<1x16xi32, #tpu.memory_space<vmem>> -> memref<16xi32, #tpu.memory_space<vmem>>
      %dma_wait3A_299 = arith.constant 0 : i32
      %dma_wait3A_300 = arith.constant 0 : i32
      %dma_wait3A_301 = tpu.memref_slice %arg3[%dma_wait3A_299, %dma_wait3A_300] : memref<8192x128xf32, #tpu.memory_space<hbm>> -> memref<8192x128xf32, #tpu.memory_space<hbm>>
      tpu.wait_indirect_dma semaphore(%arg7 : memref<!tpu.dma_semaphore, #tpu.memory_space<semaphore_mem>>) src(%dma_wait3A_301 : memref<8192x128xf32, #tpu.memory_space<hbm>>) dst(%dma_wait3A_295 : memref<16x128xf32, #tpu.memory_space<vmem>>)
      %dma_wait3A_302 = arith.constant 208 : i32
      %dma_wait3A_303 = arith.constant 0 : i32
      %dma_wait3A_304 = tpu.memref_slice %arg6[%dma_wait3A_302, %dma_wait3A_303] : memref<256x128xf32, #tpu.memory_space<vmem>> -> memref<16x128xf32, #tpu.memory_space<vmem>>
      %dma_wait3A_305 = arith.constant 0 : i32
      %dma_wait3A_306 = tpu.memref_slice %arg5[%add3A_38, %dma_wait3A_305] : memref<256x16xi32, #tpu.memory_space<vmem>> -> memref<1x16xi32, #tpu.memory_space<vmem>>
      %dma_wait3A_307 = tpu.memref_squeeze %dma_wait3A_306 : memref<1x16xi32, #tpu.memory_space<vmem>> -> memref<16xi32, #tpu.memory_space<vmem>>
      %dma_wait3A_308 = arith.constant 0 : i32
      %dma_wait3A_309 = arith.constant 0 : i32
      %dma_wait3A_310 = tpu.memref_slice %arg3[%dma_wait3A_308, %dma_wait3A_309] : memref<8192x128xf32, #tpu.memory_space<hbm>> -> memref<8192x128xf32, #tpu.memory_space<hbm>>
      tpu.wait_indirect_dma semaphore(%arg7 : memref<!tpu.dma_semaphore, #tpu.memory_space<semaphore_mem>>) src(%dma_wait3A_310 : memref<8192x128xf32, #tpu.memory_space<hbm>>) dst(%dma_wait3A_304 : memref<16x128xf32, #tpu.memory_space<vmem>>)
      %dma_wait3A_311 = arith.constant 224 : i32
      %dma_wait3A_312 = arith.constant 0 : i32
      %dma_wait3A_313 = tpu.memref_slice %arg6[%dma_wait3A_311, %dma_wait3A_312] : memref<256x128xf32, #tpu.memory_space<vmem>> -> memref<16x128xf32, #tpu.memory_space<vmem>>
      %dma_wait3A_314 = arith.constant 0 : i32
      %dma_wait3A_315 = tpu.memref_slice %arg5[%add3A_40, %dma_wait3A_314] : memref<256x16xi32, #tpu.memory_space<vmem>> -> memref<1x16xi32, #tpu.memory_space<vmem>>
      %dma_wait3A_316 = tpu.memref_squeeze %dma_wait3A_315 : memref<1x16xi32, #tpu.memory_space<vmem>> -> memref<16xi32, #tpu.memory_space<vmem>>
      %dma_wait3A_317 = arith.constant 0 : i32
      %dma_wait3A_318 = arith.constant 0 : i32
      %dma_wait3A_319 = tpu.memref_slice %arg3[%dma_wait3A_317, %dma_wait3A_318] : memref<8192x128xf32, #tpu.memory_space<hbm>> -> memref<8192x128xf32, #tpu.memory_space<hbm>>
      tpu.wait_indirect_dma semaphore(%arg7 : memref<!tpu.dma_semaphore, #tpu.memory_space<semaphore_mem>>) src(%dma_wait3A_319 : memref<8192x128xf32, #tpu.memory_space<hbm>>) dst(%dma_wait3A_313 : memref<16x128xf32, #tpu.memory_space<vmem>>)
      %dma_wait3A_320 = arith.constant 240 : i32
      %dma_wait3A_321 = arith.constant 0 : i32
      %dma_wait3A_322 = tpu.memref_slice %arg6[%dma_wait3A_320, %dma_wait3A_321] : memref<256x128xf32, #tpu.memory_space<vmem>> -> memref<16x128xf32, #tpu.memory_space<vmem>>
      %dma_wait3A_323 = arith.constant 0 : i32
      %dma_wait3A_324 = tpu.memref_slice %arg5[%add3A_42, %dma_wait3A_323] : memref<256x16xi32, #tpu.memory_space<vmem>> -> memref<1x16xi32, #tpu.memory_space<vmem>>
      %dma_wait3A_325 = tpu.memref_squeeze %dma_wait3A_324 : memref<1x16xi32, #tpu.memory_space<vmem>> -> memref<16xi32, #tpu.memory_space<vmem>>
      %dma_wait3A_326 = arith.constant 0 : i32
      %dma_wait3A_327 = arith.constant 0 : i32
      %dma_wait3A_328 = tpu.memref_slice %arg3[%dma_wait3A_326, %dma_wait3A_327] : memref<8192x128xf32, #tpu.memory_space<hbm>> -> memref<8192x128xf32, #tpu.memory_space<hbm>>
      tpu.wait_indirect_dma semaphore(%arg7 : memref<!tpu.dma_semaphore, #tpu.memory_space<semaphore_mem>>) src(%dma_wait3A_328 : memref<8192x128xf32, #tpu.memory_space<hbm>>) dst(%dma_wait3A_322 : memref<16x128xf32, #tpu.memory_space<vmem>>)
      %add3A_329 = arith.addi %mul3A_2, %mul3A_10 : i32
      %mul3A_330 = arith.constant 16 : i32
      %mul3A_331 = arith.muli %add3A_329, %mul3A_330 : i32
      "tpu.region"() ({
        %run_scoped3A = tpu.sem_alloc : memref<!tpu.dma_semaphore, #tpu.memory_space<semaphore_mem>>
        %dma_start3A_332 = arith.constant 0 : i32
        %dma_start3A_333 = tpu.memref_slice %arg4[%mul3A_331, %dma_start3A_332] : memref<131072x128xf32, #tpu.memory_space<hbm>> -> memref<256x128xf32, #tpu.memory_space<hbm>>
        %dma_start3A_334 = arith.constant 0 : i32
        %dma_start3A_335 = tpu.memref_slice %arg4[%mul3A_331, %dma_start3A_334] : memref<131072x128xf32, #tpu.memory_space<hbm>> -> memref<256x128xf32, #tpu.memory_space<hbm>>
        tpu.enqueue_dma source(%arg6 : memref<256x128xf32, #tpu.memory_space<vmem>>) target(%dma_start3A_335 : memref<256x128xf32, #tpu.memory_space<hbm>>) target_semaphore(%run_scoped3A : memref<!tpu.dma_semaphore, #tpu.memory_space<semaphore_mem>>)
        %dma_wait3A_336 = arith.constant 0 : i32
        %dma_wait3A_337 = tpu.memref_slice %arg4[%mul3A_331, %dma_wait3A_336] : memref<131072x128xf32, #tpu.memory_space<hbm>> -> memref<256x128xf32, #tpu.memory_space<hbm>>
        %dma_wait3A_338 = arith.constant 0 : i32
        %dma_wait3A_339 = tpu.memref_slice %arg4[%mul3A_331, %dma_wait3A_338] : memref<131072x128xf32, #tpu.memory_space<hbm>> -> memref<256x128xf32, #tpu.memory_space<hbm>>
        tpu.wait_dma2 semaphore(%run_scoped3A : memref<!tpu.dma_semaphore, #tpu.memory_space<semaphore_mem>>) src(%arg6 : memref<256x128xf32, #tpu.memory_space<vmem>>) dst(%dma_wait3A_339 : memref<256x128xf32, #tpu.memory_space<hbm>>)
        tpu.yield
      }) : () -> ()
    }
    %scan3A_7 = arith.constant 16 : i32
    return
  }
}

module attributes {stable_mosaic.version = 14 : i64} {
  func.func @_topk_body(%arg0: i32, %arg1: i32, %arg2: memref<1x256x128xf32, #tpu.memory_space<vmem>>, %arg3: memref<1x8x2048xf32, #tpu.memory_space<vmem>>, %arg4: memref<1x16x2048x128xbf16, #tpu.memory_space<vmem>>, %arg5: memref<256x16xi32, #tpu.memory_space<vmem>>, %arg6: memref<1x256x128xf32, #tpu.memory_space<vmem>>) attributes {dimension_semantics = [#tpu.dimension_semantics<arbitrary>, #tpu.dimension_semantics<arbitrary>], iteration_bounds = array<i64: 4, 8>, scalar_prefetch = 0 : i64, scratch_operands = 0 : i64, tpu.core_type = #tpu.core_type<tc>, window_params = [{transform_indices = @transform_0, window_bounds = array<i64: 1, 256, 128>}, {transform_indices = @transform_1, window_bounds = array<i64: 1, 8, 2048>}, {transform_indices = @transform_2, window_bounds = array<i64: 1, 16, 2048, 128>}, {transform_indices = @transform_3, window_bounds = array<i64: 256, 16>}, {transform_indices = @transform_4, window_bounds = array<i64: 1, 256, 128>}]} {
    %get3A = arith.constant 0 : index
    %get3A_0 = arith.constant 0 : index
    %get3A_1 = arith.constant 0 : index
    %get3A_2 = vector.load %arg2[%get3A, %get3A_0, %get3A_1] : memref<1x256x128xf32, #tpu.memory_space<vmem>>, vector<1x256x128xf32>
    %get3A_3 = vector.shape_cast %get3A_2 : vector<1x256x128xf32> to vector<256x128xf32>
    %get3A_4 = arith.constant 0 : index
    %get3A_5 = arith.constant 0 : index
    %get3A_6 = arith.constant 0 : index
    %get3A_7 = vector.load %arg3[%get3A_4, %get3A_5, %get3A_6] : memref<1x8x2048xf32, #tpu.memory_space<vmem>>, vector<1x8x2048xf32>
    %get3A_8 = vector.shape_cast %get3A_7 : vector<1x8x2048xf32> to vector<8x2048xf32>
    %slice3A = vector.extract_strided_slice %get3A_8 {offsets = [3, 0], sizes = [1, 2048], strides = [1, 1]} : vector<8x2048xf32> to vector<1x2048xf32>
    %slice3A_9 = vector.extract_strided_slice %get3A_3 {offsets = [0, 0], sizes = [256, 1], strides = [1, 1]} : vector<256x128xf32> to vector<256x1xf32>
    %slice3A_10 = vector.extract_strided_slice %get3A_8 {offsets = [0, 0], sizes = [1, 2048], strides = [1, 1]} : vector<8x2048xf32> to vector<1x2048xf32>
    %sub3A = vector.broadcast %slice3A_9 : vector<256x1xf32> to vector<256x2048xf32>
    %sub3A_11 = vector.broadcast %slice3A_10 : vector<1x2048xf32> to vector<256x2048xf32>
    %sub3A_12 = arith.subf %sub3A, %sub3A_11 : vector<256x2048xf32>
    %mul3A = arith.mulf %sub3A_12, %sub3A_12 : vector<256x2048xf32>
    %add3A = vector.broadcast %slice3A : vector<1x2048xf32> to vector<256x2048xf32>
    %add3A_13 = arith.addf %add3A, %mul3A : vector<256x2048xf32>
    %slice3A_14 = vector.extract_strided_slice %get3A_3 {offsets = [0, 1], sizes = [256, 1], strides = [1, 1]} : vector<256x128xf32> to vector<256x1xf32>
    %slice3A_15 = vector.extract_strided_slice %get3A_8 {offsets = [1, 0], sizes = [1, 2048], strides = [1, 1]} : vector<8x2048xf32> to vector<1x2048xf32>
    %sub3A_16 = vector.broadcast %slice3A_14 : vector<256x1xf32> to vector<256x2048xf32>
    %sub3A_17 = vector.broadcast %slice3A_15 : vector<1x2048xf32> to vector<256x2048xf32>
    %sub3A_18 = arith.subf %sub3A_16, %sub3A_17 : vector<256x2048xf32>
    %mul3A_19 = arith.mulf %sub3A_18, %sub3A_18 : vector<256x2048xf32>
    %add3A_20 = arith.addf %add3A_13, %mul3A_19 : vector<256x2048xf32>
    %slice3A_21 = vector.extract_strided_slice %get3A_3 {offsets = [0, 2], sizes = [256, 1], strides = [1, 1]} : vector<256x128xf32> to vector<256x1xf32>
    %slice3A_22 = vector.extract_strided_slice %get3A_8 {offsets = [2, 0], sizes = [1, 2048], strides = [1, 1]} : vector<8x2048xf32> to vector<1x2048xf32>
    %sub3A_23 = vector.broadcast %slice3A_21 : vector<256x1xf32> to vector<256x2048xf32>
    %sub3A_24 = vector.broadcast %slice3A_22 : vector<1x2048xf32> to vector<256x2048xf32>
    %sub3A_25 = arith.subf %sub3A_23, %sub3A_24 : vector<256x2048xf32>
    %mul3A_26 = arith.mulf %sub3A_25, %sub3A_25 : vector<256x2048xf32>
    %add3A_27 = arith.addf %add3A_20, %mul3A_26 : vector<256x2048xf32>
    %iota3A = tpu.iota {dimensions = array<i32: 1>} : vector<256x2048xi32>
    %iota3A_28 = tpu.iota {dimensions = array<i32: 1>} : vector<256x16xi32>
    %iota3A_29 = tpu.iota {dimensions = array<i32: 1>} : vector<256x128xi32>
    %and3A = arith.constant 7 : i32
    %and3A_30 = vector.broadcast %and3A : i32 to vector<256x128xi32>
    %and3A_31 = arith.andi %iota3A_29, %and3A_30 : vector<256x128xi32>
    %broadcast_in_dim3A = arith.constant 0.000000e+00 : f32
    %broadcast_in_dim3A_32 = vector.broadcast %broadcast_in_dim3A : f32 to vector<256x128xf32>
    %mul3A_33 = arith.constant 256 : i32
    %mul3A_34 = arith.muli %arg1, %mul3A_33 : i32
    %iota3A_35 = tpu.iota {dimensions = array<i32: 0>} : vector<256x1xi32>
    %add3A_36 = vector.broadcast %mul3A_34 : i32 to vector<256x1xi32>
    %add3A_37 = arith.addi %add3A_36, %iota3A_35 : vector<256x1xi32>
    %eq3A = vector.broadcast %add3A_37 : vector<256x1xi32> to vector<256x2048xi32>
    %eq3A_38 = arith.cmpi eq, %iota3A, %eq3A : vector<256x2048xi32>
    %jit3A = arith.constant 0x7F800000 : f32
    %broadcast_in_dim3A_39 = vector.broadcast %jit3A : f32 to vector<256x2048xf32>
    %select_n3A = arith.select %eq3A_38, %broadcast_in_dim3A_39, %add3A_27 : vector<256x2048xi1>, vector<256x2048xf32>
    %eq3A_40 = arith.constant 0 : i32
    %eq3A_41 = vector.broadcast %eq3A_40 : i32 to vector<256x16xi32>
    %eq3A_42 = arith.cmpi eq, %iota3A_28, %eq3A_41 : vector<256x16xi32>
    %jit3A_43 = arith.constant 0 : i32
    %broadcast_in_dim3A_44 = vector.shape_cast %add3A_37 : vector<256x1xi32> to vector<256x1xi32>
    %broadcast_in_dim3A_45 = vector.broadcast %broadcast_in_dim3A_44 : vector<256x1xi32> to vector<256x16xi32>
    %broadcast_in_dim3A_46 = vector.broadcast %jit3A_43 : i32 to vector<256x16xi32>
    %select_n3A_47 = arith.select %eq3A_42, %broadcast_in_dim3A_45, %broadcast_in_dim3A_46 : vector<256x16xi1>, vector<256x16xi32>
    %reduce_min3A = arith.constant dense<0x7F800000> : vector<256xf32>
    %reduce_min3A_48 = vector.multi_reduction <minimumf>, %select_n3A, %reduce_min3A [1] : vector<256x2048xf32> to vector<256xf32>
    %broadcast_in_dim3A_49 = vector.shape_cast %reduce_min3A_48 : vector<256xf32> to vector<256x1xf32>
    %eq3A_50 = vector.broadcast %broadcast_in_dim3A_49 : vector<256x1xf32> to vector<256x2048xf32>
    %eq3A_51 = arith.cmpf oeq, %select_n3A, %eq3A_50 : vector<256x2048xf32>
    %jit3A_52 = arith.constant 2048 : i32
    %broadcast_in_dim3A_53 = vector.broadcast %jit3A_52 : i32 to vector<256x2048xi32>
    %select_n3A_54 = arith.select %eq3A_51, %iota3A, %broadcast_in_dim3A_53 : vector<256x2048xi1>, vector<256x2048xi32>
    %reduce_min3A_55 = arith.constant dense<2147483647> : vector<256xi32>
    %reduce_min3A_56 = vector.multi_reduction <minsi>, %select_n3A_54, %reduce_min3A_55 [1] : vector<256x2048xi32> to vector<256xi32>
    %broadcast_in_dim3A_57 = vector.shape_cast %reduce_min3A_56 : vector<256xi32> to vector<256x1xi32>
    %eq3A_58 = vector.broadcast %broadcast_in_dim3A_57 : vector<256x1xi32> to vector<256x2048xi32>
    %eq3A_59 = arith.cmpi eq, %iota3A, %eq3A_58 : vector<256x2048xi32>
    %jit3A_60 = arith.constant 0x7F800000 : f32
    %broadcast_in_dim3A_61 = vector.broadcast %jit3A_60 : f32 to vector<256x2048xf32>
    %select_n3A_62 = arith.select %eq3A_59, %broadcast_in_dim3A_61, %select_n3A : vector<256x2048xi1>, vector<256x2048xf32>
    %eq3A_63 = arith.constant 1 : i32
    %eq3A_64 = vector.broadcast %eq3A_63 : i32 to vector<256x16xi32>
    %eq3A_65 = arith.cmpi eq, %iota3A_28, %eq3A_64 : vector<256x16xi32>
    %broadcast_in_dim3A_66 = vector.shape_cast %broadcast_in_dim3A_57 : vector<256x1xi32> to vector<256x1xi32>
    %broadcast_in_dim3A_67 = vector.broadcast %broadcast_in_dim3A_66 : vector<256x1xi32> to vector<256x16xi32>
    %select_n3A_68 = arith.select %eq3A_65, %broadcast_in_dim3A_67, %select_n3A_47 : vector<256x16xi1>, vector<256x16xi32>
    %convert_element_type3A = arith.extui %eq3A_59 : vector<256x2048xi1> to vector<256x2048xi32>
    %convert_element_type3A_69 = arith.sitofp %convert_element_type3A : vector<256x2048xi32> to vector<256x2048xf32>
    %convert_element_type3A_70 = arith.truncf %convert_element_type3A_69 : vector<256x2048xf32> to vector<256x2048xbf16>
    %get3A_71 = arith.constant 0 : index
    %get3A_72 = arith.constant 1 : index
    %get3A_73 = arith.constant 0 : index
    %get3A_74 = arith.constant 0 : index
    %get3A_75 = vector.load %arg4[%get3A_71, %get3A_72, %get3A_73, %get3A_74] : memref<1x16x2048x128xbf16, #tpu.memory_space<vmem>>, vector<1x1x2048x128xbf16>
    %get3A_76 = vector.shape_cast %get3A_75 : vector<1x1x2048x128xbf16> to vector<2048x128xbf16>
    %dot_general3A = arith.constant dense<0.000000e+00> : vector<256x128xf32>
    %dot_general3A_77 = tpu.matmul %convert_element_type3A_70, %get3A_76, %dot_general3A {dimension_numbers = #tpu.dot_dimension_numbers<[1], [0], [0], [1], [0, 0, 1, 1], [], []>, transpose_lhs_hint = false} : vector<256x2048xbf16>, vector<2048x128xbf16>, vector<256x128xf32> -> vector<256x128xf32>
    %add3A_78 = arith.addf %broadcast_in_dim3A_32, %dot_general3A_77 : vector<256x128xf32>
    %reduce_min3A_79 = arith.constant dense<0x7F800000> : vector<256xf32>
    %reduce_min3A_80 = vector.multi_reduction <minimumf>, %select_n3A_62, %reduce_min3A_79 [1] : vector<256x2048xf32> to vector<256xf32>
    %broadcast_in_dim3A_81 = vector.shape_cast %reduce_min3A_80 : vector<256xf32> to vector<256x1xf32>
    %eq3A_82 = vector.broadcast %broadcast_in_dim3A_81 : vector<256x1xf32> to vector<256x2048xf32>
    %eq3A_83 = arith.cmpf oeq, %select_n3A_62, %eq3A_82 : vector<256x2048xf32>
    %jit3A_84 = arith.constant 2048 : i32
    %broadcast_in_dim3A_85 = vector.broadcast %jit3A_84 : i32 to vector<256x2048xi32>
    %select_n3A_86 = arith.select %eq3A_83, %iota3A, %broadcast_in_dim3A_85 : vector<256x2048xi1>, vector<256x2048xi32>
    %reduce_min3A_87 = arith.constant dense<2147483647> : vector<256xi32>
    %reduce_min3A_88 = vector.multi_reduction <minsi>, %select_n3A_86, %reduce_min3A_87 [1] : vector<256x2048xi32> to vector<256xi32>
    %broadcast_in_dim3A_89 = vector.shape_cast %reduce_min3A_88 : vector<256xi32> to vector<256x1xi32>
    %eq3A_90 = vector.broadcast %broadcast_in_dim3A_89 : vector<256x1xi32> to vector<256x2048xi32>
    %eq3A_91 = arith.cmpi eq, %iota3A, %eq3A_90 : vector<256x2048xi32>
    %jit3A_92 = arith.constant 0x7F800000 : f32
    %broadcast_in_dim3A_93 = vector.broadcast %jit3A_92 : f32 to vector<256x2048xf32>
    %select_n3A_94 = arith.select %eq3A_91, %broadcast_in_dim3A_93, %select_n3A_62 : vector<256x2048xi1>, vector<256x2048xf32>
    %eq3A_95 = arith.constant 2 : i32
    %eq3A_96 = vector.broadcast %eq3A_95 : i32 to vector<256x16xi32>
    %eq3A_97 = arith.cmpi eq, %iota3A_28, %eq3A_96 : vector<256x16xi32>
    %broadcast_in_dim3A_98 = vector.shape_cast %broadcast_in_dim3A_89 : vector<256x1xi32> to vector<256x1xi32>
    %broadcast_in_dim3A_99 = vector.broadcast %broadcast_in_dim3A_98 : vector<256x1xi32> to vector<256x16xi32>
    %select_n3A_100 = arith.select %eq3A_97, %broadcast_in_dim3A_99, %select_n3A_68 : vector<256x16xi1>, vector<256x16xi32>
    %convert_element_type3A_101 = arith.extui %eq3A_91 : vector<256x2048xi1> to vector<256x2048xi32>
    %convert_element_type3A_102 = arith.sitofp %convert_element_type3A_101 : vector<256x2048xi32> to vector<256x2048xf32>
    %convert_element_type3A_103 = arith.truncf %convert_element_type3A_102 : vector<256x2048xf32> to vector<256x2048xbf16>
    %get3A_104 = arith.constant 0 : index
    %get3A_105 = arith.constant 2 : index
    %get3A_106 = arith.constant 0 : index
    %get3A_107 = arith.constant 0 : index
    %get3A_108 = vector.load %arg4[%get3A_104, %get3A_105, %get3A_106, %get3A_107] : memref<1x16x2048x128xbf16, #tpu.memory_space<vmem>>, vector<1x1x2048x128xbf16>
    %get3A_109 = vector.shape_cast %get3A_108 : vector<1x1x2048x128xbf16> to vector<2048x128xbf16>
    %dot_general3A_110 = arith.constant dense<0.000000e+00> : vector<256x128xf32>
    %dot_general3A_111 = tpu.matmul %convert_element_type3A_103, %get3A_109, %dot_general3A_110 {dimension_numbers = #tpu.dot_dimension_numbers<[1], [0], [0], [1], [0, 0, 1, 1], [], []>, transpose_lhs_hint = false} : vector<256x2048xbf16>, vector<2048x128xbf16>, vector<256x128xf32> -> vector<256x128xf32>
    %add3A_112 = arith.addf %add3A_78, %dot_general3A_111 : vector<256x128xf32>
    %reduce_min3A_113 = arith.constant dense<0x7F800000> : vector<256xf32>
    %reduce_min3A_114 = vector.multi_reduction <minimumf>, %select_n3A_94, %reduce_min3A_113 [1] : vector<256x2048xf32> to vector<256xf32>
    %broadcast_in_dim3A_115 = vector.shape_cast %reduce_min3A_114 : vector<256xf32> to vector<256x1xf32>
    %eq3A_116 = vector.broadcast %broadcast_in_dim3A_115 : vector<256x1xf32> to vector<256x2048xf32>
    %eq3A_117 = arith.cmpf oeq, %select_n3A_94, %eq3A_116 : vector<256x2048xf32>
    %jit3A_118 = arith.constant 2048 : i32
    %broadcast_in_dim3A_119 = vector.broadcast %jit3A_118 : i32 to vector<256x2048xi32>
    %select_n3A_120 = arith.select %eq3A_117, %iota3A, %broadcast_in_dim3A_119 : vector<256x2048xi1>, vector<256x2048xi32>
    %reduce_min3A_121 = arith.constant dense<2147483647> : vector<256xi32>
    %reduce_min3A_122 = vector.multi_reduction <minsi>, %select_n3A_120, %reduce_min3A_121 [1] : vector<256x2048xi32> to vector<256xi32>
    %broadcast_in_dim3A_123 = vector.shape_cast %reduce_min3A_122 : vector<256xi32> to vector<256x1xi32>
    %eq3A_124 = vector.broadcast %broadcast_in_dim3A_123 : vector<256x1xi32> to vector<256x2048xi32>
    %eq3A_125 = arith.cmpi eq, %iota3A, %eq3A_124 : vector<256x2048xi32>
    %jit3A_126 = arith.constant 0x7F800000 : f32
    %broadcast_in_dim3A_127 = vector.broadcast %jit3A_126 : f32 to vector<256x2048xf32>
    %select_n3A_128 = arith.select %eq3A_125, %broadcast_in_dim3A_127, %select_n3A_94 : vector<256x2048xi1>, vector<256x2048xf32>
    %eq3A_129 = arith.constant 3 : i32
    %eq3A_130 = vector.broadcast %eq3A_129 : i32 to vector<256x16xi32>
    %eq3A_131 = arith.cmpi eq, %iota3A_28, %eq3A_130 : vector<256x16xi32>
    %broadcast_in_dim3A_132 = vector.shape_cast %broadcast_in_dim3A_123 : vector<256x1xi32> to vector<256x1xi32>
    %broadcast_in_dim3A_133 = vector.broadcast %broadcast_in_dim3A_132 : vector<256x1xi32> to vector<256x16xi32>
    %select_n3A_134 = arith.select %eq3A_131, %broadcast_in_dim3A_133, %select_n3A_100 : vector<256x16xi1>, vector<256x16xi32>
    %convert_element_type3A_135 = arith.extui %eq3A_125 : vector<256x2048xi1> to vector<256x2048xi32>
    %convert_element_type3A_136 = arith.sitofp %convert_element_type3A_135 : vector<256x2048xi32> to vector<256x2048xf32>
    %convert_element_type3A_137 = arith.truncf %convert_element_type3A_136 : vector<256x2048xf32> to vector<256x2048xbf16>
    %get3A_138 = arith.constant 0 : index
    %get3A_139 = arith.constant 3 : index
    %get3A_140 = arith.constant 0 : index
    %get3A_141 = arith.constant 0 : index
    %get3A_142 = vector.load %arg4[%get3A_138, %get3A_139, %get3A_140, %get3A_141] : memref<1x16x2048x128xbf16, #tpu.memory_space<vmem>>, vector<1x1x2048x128xbf16>
    %get3A_143 = vector.shape_cast %get3A_142 : vector<1x1x2048x128xbf16> to vector<2048x128xbf16>
    %dot_general3A_144 = arith.constant dense<0.000000e+00> : vector<256x128xf32>
    %dot_general3A_145 = tpu.matmul %convert_element_type3A_137, %get3A_143, %dot_general3A_144 {dimension_numbers = #tpu.dot_dimension_numbers<[1], [0], [0], [1], [0, 0, 1, 1], [], []>, transpose_lhs_hint = false} : vector<256x2048xbf16>, vector<2048x128xbf16>, vector<256x128xf32> -> vector<256x128xf32>
    %add3A_146 = arith.addf %add3A_112, %dot_general3A_145 : vector<256x128xf32>
    %reduce_min3A_147 = arith.constant dense<0x7F800000> : vector<256xf32>
    %reduce_min3A_148 = vector.multi_reduction <minimumf>, %select_n3A_128, %reduce_min3A_147 [1] : vector<256x2048xf32> to vector<256xf32>
    %broadcast_in_dim3A_149 = vector.shape_cast %reduce_min3A_148 : vector<256xf32> to vector<256x1xf32>
    %eq3A_150 = vector.broadcast %broadcast_in_dim3A_149 : vector<256x1xf32> to vector<256x2048xf32>
    %eq3A_151 = arith.cmpf oeq, %select_n3A_128, %eq3A_150 : vector<256x2048xf32>
    %jit3A_152 = arith.constant 2048 : i32
    %broadcast_in_dim3A_153 = vector.broadcast %jit3A_152 : i32 to vector<256x2048xi32>
    %select_n3A_154 = arith.select %eq3A_151, %iota3A, %broadcast_in_dim3A_153 : vector<256x2048xi1>, vector<256x2048xi32>
    %reduce_min3A_155 = arith.constant dense<2147483647> : vector<256xi32>
    %reduce_min3A_156 = vector.multi_reduction <minsi>, %select_n3A_154, %reduce_min3A_155 [1] : vector<256x2048xi32> to vector<256xi32>
    %broadcast_in_dim3A_157 = vector.shape_cast %reduce_min3A_156 : vector<256xi32> to vector<256x1xi32>
    %eq3A_158 = vector.broadcast %broadcast_in_dim3A_157 : vector<256x1xi32> to vector<256x2048xi32>
    %eq3A_159 = arith.cmpi eq, %iota3A, %eq3A_158 : vector<256x2048xi32>
    %jit3A_160 = arith.constant 0x7F800000 : f32
    %broadcast_in_dim3A_161 = vector.broadcast %jit3A_160 : f32 to vector<256x2048xf32>
    %select_n3A_162 = arith.select %eq3A_159, %broadcast_in_dim3A_161, %select_n3A_128 : vector<256x2048xi1>, vector<256x2048xf32>
    %eq3A_163 = arith.constant 4 : i32
    %eq3A_164 = vector.broadcast %eq3A_163 : i32 to vector<256x16xi32>
    %eq3A_165 = arith.cmpi eq, %iota3A_28, %eq3A_164 : vector<256x16xi32>
    %broadcast_in_dim3A_166 = vector.shape_cast %broadcast_in_dim3A_157 : vector<256x1xi32> to vector<256x1xi32>
    %broadcast_in_dim3A_167 = vector.broadcast %broadcast_in_dim3A_166 : vector<256x1xi32> to vector<256x16xi32>
    %select_n3A_168 = arith.select %eq3A_165, %broadcast_in_dim3A_167, %select_n3A_134 : vector<256x16xi1>, vector<256x16xi32>
    %convert_element_type3A_169 = arith.extui %eq3A_159 : vector<256x2048xi1> to vector<256x2048xi32>
    %convert_element_type3A_170 = arith.sitofp %convert_element_type3A_169 : vector<256x2048xi32> to vector<256x2048xf32>
    %convert_element_type3A_171 = arith.truncf %convert_element_type3A_170 : vector<256x2048xf32> to vector<256x2048xbf16>
    %get3A_172 = arith.constant 0 : index
    %get3A_173 = arith.constant 4 : index
    %get3A_174 = arith.constant 0 : index
    %get3A_175 = arith.constant 0 : index
    %get3A_176 = vector.load %arg4[%get3A_172, %get3A_173, %get3A_174, %get3A_175] : memref<1x16x2048x128xbf16, #tpu.memory_space<vmem>>, vector<1x1x2048x128xbf16>
    %get3A_177 = vector.shape_cast %get3A_176 : vector<1x1x2048x128xbf16> to vector<2048x128xbf16>
    %dot_general3A_178 = arith.constant dense<0.000000e+00> : vector<256x128xf32>
    %dot_general3A_179 = tpu.matmul %convert_element_type3A_171, %get3A_177, %dot_general3A_178 {dimension_numbers = #tpu.dot_dimension_numbers<[1], [0], [0], [1], [0, 0, 1, 1], [], []>, transpose_lhs_hint = false} : vector<256x2048xbf16>, vector<2048x128xbf16>, vector<256x128xf32> -> vector<256x128xf32>
    %add3A_180 = arith.addf %add3A_146, %dot_general3A_179 : vector<256x128xf32>
    %reduce_min3A_181 = arith.constant dense<0x7F800000> : vector<256xf32>
    %reduce_min3A_182 = vector.multi_reduction <minimumf>, %select_n3A_162, %reduce_min3A_181 [1] : vector<256x2048xf32> to vector<256xf32>
    %broadcast_in_dim3A_183 = vector.shape_cast %reduce_min3A_182 : vector<256xf32> to vector<256x1xf32>
    %eq3A_184 = vector.broadcast %broadcast_in_dim3A_183 : vector<256x1xf32> to vector<256x2048xf32>
    %eq3A_185 = arith.cmpf oeq, %select_n3A_162, %eq3A_184 : vector<256x2048xf32>
    %jit3A_186 = arith.constant 2048 : i32
    %broadcast_in_dim3A_187 = vector.broadcast %jit3A_186 : i32 to vector<256x2048xi32>
    %select_n3A_188 = arith.select %eq3A_185, %iota3A, %broadcast_in_dim3A_187 : vector<256x2048xi1>, vector<256x2048xi32>
    %reduce_min3A_189 = arith.constant dense<2147483647> : vector<256xi32>
    %reduce_min3A_190 = vector.multi_reduction <minsi>, %select_n3A_188, %reduce_min3A_189 [1] : vector<256x2048xi32> to vector<256xi32>
    %broadcast_in_dim3A_191 = vector.shape_cast %reduce_min3A_190 : vector<256xi32> to vector<256x1xi32>
    %eq3A_192 = vector.broadcast %broadcast_in_dim3A_191 : vector<256x1xi32> to vector<256x2048xi32>
    %eq3A_193 = arith.cmpi eq, %iota3A, %eq3A_192 : vector<256x2048xi32>
    %jit3A_194 = arith.constant 0x7F800000 : f32
    %broadcast_in_dim3A_195 = vector.broadcast %jit3A_194 : f32 to vector<256x2048xf32>
    %select_n3A_196 = arith.select %eq3A_193, %broadcast_in_dim3A_195, %select_n3A_162 : vector<256x2048xi1>, vector<256x2048xf32>
    %eq3A_197 = arith.constant 5 : i32
    %eq3A_198 = vector.broadcast %eq3A_197 : i32 to vector<256x16xi32>
    %eq3A_199 = arith.cmpi eq, %iota3A_28, %eq3A_198 : vector<256x16xi32>
    %broadcast_in_dim3A_200 = vector.shape_cast %broadcast_in_dim3A_191 : vector<256x1xi32> to vector<256x1xi32>
    %broadcast_in_dim3A_201 = vector.broadcast %broadcast_in_dim3A_200 : vector<256x1xi32> to vector<256x16xi32>
    %select_n3A_202 = arith.select %eq3A_199, %broadcast_in_dim3A_201, %select_n3A_168 : vector<256x16xi1>, vector<256x16xi32>
    %convert_element_type3A_203 = arith.extui %eq3A_193 : vector<256x2048xi1> to vector<256x2048xi32>
    %convert_element_type3A_204 = arith.sitofp %convert_element_type3A_203 : vector<256x2048xi32> to vector<256x2048xf32>
    %convert_element_type3A_205 = arith.truncf %convert_element_type3A_204 : vector<256x2048xf32> to vector<256x2048xbf16>
    %get3A_206 = arith.constant 0 : index
    %get3A_207 = arith.constant 5 : index
    %get3A_208 = arith.constant 0 : index
    %get3A_209 = arith.constant 0 : index
    %get3A_210 = vector.load %arg4[%get3A_206, %get3A_207, %get3A_208, %get3A_209] : memref<1x16x2048x128xbf16, #tpu.memory_space<vmem>>, vector<1x1x2048x128xbf16>
    %get3A_211 = vector.shape_cast %get3A_210 : vector<1x1x2048x128xbf16> to vector<2048x128xbf16>
    %dot_general3A_212 = arith.constant dense<0.000000e+00> : vector<256x128xf32>
    %dot_general3A_213 = tpu.matmul %convert_element_type3A_205, %get3A_211, %dot_general3A_212 {dimension_numbers = #tpu.dot_dimension_numbers<[1], [0], [0], [1], [0, 0, 1, 1], [], []>, transpose_lhs_hint = false} : vector<256x2048xbf16>, vector<2048x128xbf16>, vector<256x128xf32> -> vector<256x128xf32>
    %add3A_214 = arith.addf %add3A_180, %dot_general3A_213 : vector<256x128xf32>
    %reduce_min3A_215 = arith.constant dense<0x7F800000> : vector<256xf32>
    %reduce_min3A_216 = vector.multi_reduction <minimumf>, %select_n3A_196, %reduce_min3A_215 [1] : vector<256x2048xf32> to vector<256xf32>
    %broadcast_in_dim3A_217 = vector.shape_cast %reduce_min3A_216 : vector<256xf32> to vector<256x1xf32>
    %eq3A_218 = vector.broadcast %broadcast_in_dim3A_217 : vector<256x1xf32> to vector<256x2048xf32>
    %eq3A_219 = arith.cmpf oeq, %select_n3A_196, %eq3A_218 : vector<256x2048xf32>
    %jit3A_220 = arith.constant 2048 : i32
    %broadcast_in_dim3A_221 = vector.broadcast %jit3A_220 : i32 to vector<256x2048xi32>
    %select_n3A_222 = arith.select %eq3A_219, %iota3A, %broadcast_in_dim3A_221 : vector<256x2048xi1>, vector<256x2048xi32>
    %reduce_min3A_223 = arith.constant dense<2147483647> : vector<256xi32>
    %reduce_min3A_224 = vector.multi_reduction <minsi>, %select_n3A_222, %reduce_min3A_223 [1] : vector<256x2048xi32> to vector<256xi32>
    %broadcast_in_dim3A_225 = vector.shape_cast %reduce_min3A_224 : vector<256xi32> to vector<256x1xi32>
    %eq3A_226 = vector.broadcast %broadcast_in_dim3A_225 : vector<256x1xi32> to vector<256x2048xi32>
    %eq3A_227 = arith.cmpi eq, %iota3A, %eq3A_226 : vector<256x2048xi32>
    %jit3A_228 = arith.constant 0x7F800000 : f32
    %broadcast_in_dim3A_229 = vector.broadcast %jit3A_228 : f32 to vector<256x2048xf32>
    %select_n3A_230 = arith.select %eq3A_227, %broadcast_in_dim3A_229, %select_n3A_196 : vector<256x2048xi1>, vector<256x2048xf32>
    %eq3A_231 = arith.constant 6 : i32
    %eq3A_232 = vector.broadcast %eq3A_231 : i32 to vector<256x16xi32>
    %eq3A_233 = arith.cmpi eq, %iota3A_28, %eq3A_232 : vector<256x16xi32>
    %broadcast_in_dim3A_234 = vector.shape_cast %broadcast_in_dim3A_225 : vector<256x1xi32> to vector<256x1xi32>
    %broadcast_in_dim3A_235 = vector.broadcast %broadcast_in_dim3A_234 : vector<256x1xi32> to vector<256x16xi32>
    %select_n3A_236 = arith.select %eq3A_233, %broadcast_in_dim3A_235, %select_n3A_202 : vector<256x16xi1>, vector<256x16xi32>
    %convert_element_type3A_237 = arith.extui %eq3A_227 : vector<256x2048xi1> to vector<256x2048xi32>
    %convert_element_type3A_238 = arith.sitofp %convert_element_type3A_237 : vector<256x2048xi32> to vector<256x2048xf32>
    %convert_element_type3A_239 = arith.truncf %convert_element_type3A_238 : vector<256x2048xf32> to vector<256x2048xbf16>
    %get3A_240 = arith.constant 0 : index
    %get3A_241 = arith.constant 6 : index
    %get3A_242 = arith.constant 0 : index
    %get3A_243 = arith.constant 0 : index
    %get3A_244 = vector.load %arg4[%get3A_240, %get3A_241, %get3A_242, %get3A_243] : memref<1x16x2048x128xbf16, #tpu.memory_space<vmem>>, vector<1x1x2048x128xbf16>
    %get3A_245 = vector.shape_cast %get3A_244 : vector<1x1x2048x128xbf16> to vector<2048x128xbf16>
    %dot_general3A_246 = arith.constant dense<0.000000e+00> : vector<256x128xf32>
    %dot_general3A_247 = tpu.matmul %convert_element_type3A_239, %get3A_245, %dot_general3A_246 {dimension_numbers = #tpu.dot_dimension_numbers<[1], [0], [0], [1], [0, 0, 1, 1], [], []>, transpose_lhs_hint = false} : vector<256x2048xbf16>, vector<2048x128xbf16>, vector<256x128xf32> -> vector<256x128xf32>
    %add3A_248 = arith.addf %add3A_214, %dot_general3A_247 : vector<256x128xf32>
    %reduce_min3A_249 = arith.constant dense<0x7F800000> : vector<256xf32>
    %reduce_min3A_250 = vector.multi_reduction <minimumf>, %select_n3A_230, %reduce_min3A_249 [1] : vector<256x2048xf32> to vector<256xf32>
    %broadcast_in_dim3A_251 = vector.shape_cast %reduce_min3A_250 : vector<256xf32> to vector<256x1xf32>
    %eq3A_252 = vector.broadcast %broadcast_in_dim3A_251 : vector<256x1xf32> to vector<256x2048xf32>
    %eq3A_253 = arith.cmpf oeq, %select_n3A_230, %eq3A_252 : vector<256x2048xf32>
    %jit3A_254 = arith.constant 2048 : i32
    %broadcast_in_dim3A_255 = vector.broadcast %jit3A_254 : i32 to vector<256x2048xi32>
    %select_n3A_256 = arith.select %eq3A_253, %iota3A, %broadcast_in_dim3A_255 : vector<256x2048xi1>, vector<256x2048xi32>
    %reduce_min3A_257 = arith.constant dense<2147483647> : vector<256xi32>
    %reduce_min3A_258 = vector.multi_reduction <minsi>, %select_n3A_256, %reduce_min3A_257 [1] : vector<256x2048xi32> to vector<256xi32>
    %broadcast_in_dim3A_259 = vector.shape_cast %reduce_min3A_258 : vector<256xi32> to vector<256x1xi32>
    %eq3A_260 = vector.broadcast %broadcast_in_dim3A_259 : vector<256x1xi32> to vector<256x2048xi32>
    %eq3A_261 = arith.cmpi eq, %iota3A, %eq3A_260 : vector<256x2048xi32>
    %jit3A_262 = arith.constant 0x7F800000 : f32
    %broadcast_in_dim3A_263 = vector.broadcast %jit3A_262 : f32 to vector<256x2048xf32>
    %select_n3A_264 = arith.select %eq3A_261, %broadcast_in_dim3A_263, %select_n3A_230 : vector<256x2048xi1>, vector<256x2048xf32>
    %eq3A_265 = arith.constant 7 : i32
    %eq3A_266 = vector.broadcast %eq3A_265 : i32 to vector<256x16xi32>
    %eq3A_267 = arith.cmpi eq, %iota3A_28, %eq3A_266 : vector<256x16xi32>
    %broadcast_in_dim3A_268 = vector.shape_cast %broadcast_in_dim3A_259 : vector<256x1xi32> to vector<256x1xi32>
    %broadcast_in_dim3A_269 = vector.broadcast %broadcast_in_dim3A_268 : vector<256x1xi32> to vector<256x16xi32>
    %select_n3A_270 = arith.select %eq3A_267, %broadcast_in_dim3A_269, %select_n3A_236 : vector<256x16xi1>, vector<256x16xi32>
    %convert_element_type3A_271 = arith.extui %eq3A_261 : vector<256x2048xi1> to vector<256x2048xi32>
    %convert_element_type3A_272 = arith.sitofp %convert_element_type3A_271 : vector<256x2048xi32> to vector<256x2048xf32>
    %convert_element_type3A_273 = arith.truncf %convert_element_type3A_272 : vector<256x2048xf32> to vector<256x2048xbf16>
    %get3A_274 = arith.constant 0 : index
    %get3A_275 = arith.constant 7 : index
    %get3A_276 = arith.constant 0 : index
    %get3A_277 = arith.constant 0 : index
    %get3A_278 = vector.load %arg4[%get3A_274, %get3A_275, %get3A_276, %get3A_277] : memref<1x16x2048x128xbf16, #tpu.memory_space<vmem>>, vector<1x1x2048x128xbf16>
    %get3A_279 = vector.shape_cast %get3A_278 : vector<1x1x2048x128xbf16> to vector<2048x128xbf16>
    %dot_general3A_280 = arith.constant dense<0.000000e+00> : vector<256x128xf32>
    %dot_general3A_281 = tpu.matmul %convert_element_type3A_273, %get3A_279, %dot_general3A_280 {dimension_numbers = #tpu.dot_dimension_numbers<[1], [0], [0], [1], [0, 0, 1, 1], [], []>, transpose_lhs_hint = false} : vector<256x2048xbf16>, vector<2048x128xbf16>, vector<256x128xf32> -> vector<256x128xf32>
    %add3A_282 = arith.addf %add3A_248, %dot_general3A_281 : vector<256x128xf32>
    %reduce_min3A_283 = arith.constant dense<0x7F800000> : vector<256xf32>
    %reduce_min3A_284 = vector.multi_reduction <minimumf>, %select_n3A_264, %reduce_min3A_283 [1] : vector<256x2048xf32> to vector<256xf32>
    %broadcast_in_dim3A_285 = vector.shape_cast %reduce_min3A_284 : vector<256xf32> to vector<256x1xf32>
    %eq3A_286 = vector.broadcast %broadcast_in_dim3A_285 : vector<256x1xf32> to vector<256x2048xf32>
    %eq3A_287 = arith.cmpf oeq, %select_n3A_264, %eq3A_286 : vector<256x2048xf32>
    %jit3A_288 = arith.constant 2048 : i32
    %broadcast_in_dim3A_289 = vector.broadcast %jit3A_288 : i32 to vector<256x2048xi32>
    %select_n3A_290 = arith.select %eq3A_287, %iota3A, %broadcast_in_dim3A_289 : vector<256x2048xi1>, vector<256x2048xi32>
    %reduce_min3A_291 = arith.constant dense<2147483647> : vector<256xi32>
    %reduce_min3A_292 = vector.multi_reduction <minsi>, %select_n3A_290, %reduce_min3A_291 [1] : vector<256x2048xi32> to vector<256xi32>
    %broadcast_in_dim3A_293 = vector.shape_cast %reduce_min3A_292 : vector<256xi32> to vector<256x1xi32>
    %eq3A_294 = vector.broadcast %broadcast_in_dim3A_293 : vector<256x1xi32> to vector<256x2048xi32>
    %eq3A_295 = arith.cmpi eq, %iota3A, %eq3A_294 : vector<256x2048xi32>
    %jit3A_296 = arith.constant 0x7F800000 : f32
    %broadcast_in_dim3A_297 = vector.broadcast %jit3A_296 : f32 to vector<256x2048xf32>
    %select_n3A_298 = arith.select %eq3A_295, %broadcast_in_dim3A_297, %select_n3A_264 : vector<256x2048xi1>, vector<256x2048xf32>
    %eq3A_299 = arith.constant 8 : i32
    %eq3A_300 = vector.broadcast %eq3A_299 : i32 to vector<256x16xi32>
    %eq3A_301 = arith.cmpi eq, %iota3A_28, %eq3A_300 : vector<256x16xi32>
    %broadcast_in_dim3A_302 = vector.shape_cast %broadcast_in_dim3A_293 : vector<256x1xi32> to vector<256x1xi32>
    %broadcast_in_dim3A_303 = vector.broadcast %broadcast_in_dim3A_302 : vector<256x1xi32> to vector<256x16xi32>
    %select_n3A_304 = arith.select %eq3A_301, %broadcast_in_dim3A_303, %select_n3A_270 : vector<256x16xi1>, vector<256x16xi32>
    %convert_element_type3A_305 = arith.extui %eq3A_295 : vector<256x2048xi1> to vector<256x2048xi32>
    %convert_element_type3A_306 = arith.sitofp %convert_element_type3A_305 : vector<256x2048xi32> to vector<256x2048xf32>
    %convert_element_type3A_307 = arith.truncf %convert_element_type3A_306 : vector<256x2048xf32> to vector<256x2048xbf16>
    %get3A_308 = arith.constant 0 : index
    %get3A_309 = arith.constant 8 : index
    %get3A_310 = arith.constant 0 : index
    %get3A_311 = arith.constant 0 : index
    %get3A_312 = vector.load %arg4[%get3A_308, %get3A_309, %get3A_310, %get3A_311] : memref<1x16x2048x128xbf16, #tpu.memory_space<vmem>>, vector<1x1x2048x128xbf16>
    %get3A_313 = vector.shape_cast %get3A_312 : vector<1x1x2048x128xbf16> to vector<2048x128xbf16>
    %dot_general3A_314 = arith.constant dense<0.000000e+00> : vector<256x128xf32>
    %dot_general3A_315 = tpu.matmul %convert_element_type3A_307, %get3A_313, %dot_general3A_314 {dimension_numbers = #tpu.dot_dimension_numbers<[1], [0], [0], [1], [0, 0, 1, 1], [], []>, transpose_lhs_hint = false} : vector<256x2048xbf16>, vector<2048x128xbf16>, vector<256x128xf32> -> vector<256x128xf32>
    %add3A_316 = arith.addf %add3A_282, %dot_general3A_315 : vector<256x128xf32>
    %reduce_min3A_317 = arith.constant dense<0x7F800000> : vector<256xf32>
    %reduce_min3A_318 = vector.multi_reduction <minimumf>, %select_n3A_298, %reduce_min3A_317 [1] : vector<256x2048xf32> to vector<256xf32>
    %broadcast_in_dim3A_319 = vector.shape_cast %reduce_min3A_318 : vector<256xf32> to vector<256x1xf32>
    %eq3A_320 = vector.broadcast %broadcast_in_dim3A_319 : vector<256x1xf32> to vector<256x2048xf32>
    %eq3A_321 = arith.cmpf oeq, %select_n3A_298, %eq3A_320 : vector<256x2048xf32>
    %jit3A_322 = arith.constant 2048 : i32
    %broadcast_in_dim3A_323 = vector.broadcast %jit3A_322 : i32 to vector<256x2048xi32>
    %select_n3A_324 = arith.select %eq3A_321, %iota3A, %broadcast_in_dim3A_323 : vector<256x2048xi1>, vector<256x2048xi32>
    %reduce_min3A_325 = arith.constant dense<2147483647> : vector<256xi32>
    %reduce_min3A_326 = vector.multi_reduction <minsi>, %select_n3A_324, %reduce_min3A_325 [1] : vector<256x2048xi32> to vector<256xi32>
    %broadcast_in_dim3A_327 = vector.shape_cast %reduce_min3A_326 : vector<256xi32> to vector<256x1xi32>
    %eq3A_328 = vector.broadcast %broadcast_in_dim3A_327 : vector<256x1xi32> to vector<256x2048xi32>
    %eq3A_329 = arith.cmpi eq, %iota3A, %eq3A_328 : vector<256x2048xi32>
    %jit3A_330 = arith.constant 0x7F800000 : f32
    %broadcast_in_dim3A_331 = vector.broadcast %jit3A_330 : f32 to vector<256x2048xf32>
    %select_n3A_332 = arith.select %eq3A_329, %broadcast_in_dim3A_331, %select_n3A_298 : vector<256x2048xi1>, vector<256x2048xf32>
    %eq3A_333 = arith.constant 9 : i32
    %eq3A_334 = vector.broadcast %eq3A_333 : i32 to vector<256x16xi32>
    %eq3A_335 = arith.cmpi eq, %iota3A_28, %eq3A_334 : vector<256x16xi32>
    %broadcast_in_dim3A_336 = vector.shape_cast %broadcast_in_dim3A_327 : vector<256x1xi32> to vector<256x1xi32>
    %broadcast_in_dim3A_337 = vector.broadcast %broadcast_in_dim3A_336 : vector<256x1xi32> to vector<256x16xi32>
    %select_n3A_338 = arith.select %eq3A_335, %broadcast_in_dim3A_337, %select_n3A_304 : vector<256x16xi1>, vector<256x16xi32>
    %convert_element_type3A_339 = arith.extui %eq3A_329 : vector<256x2048xi1> to vector<256x2048xi32>
    %convert_element_type3A_340 = arith.sitofp %convert_element_type3A_339 : vector<256x2048xi32> to vector<256x2048xf32>
    %convert_element_type3A_341 = arith.truncf %convert_element_type3A_340 : vector<256x2048xf32> to vector<256x2048xbf16>
    %get3A_342 = arith.constant 0 : index
    %get3A_343 = arith.constant 9 : index
    %get3A_344 = arith.constant 0 : index
    %get3A_345 = arith.constant 0 : index
    %get3A_346 = vector.load %arg4[%get3A_342, %get3A_343, %get3A_344, %get3A_345] : memref<1x16x2048x128xbf16, #tpu.memory_space<vmem>>, vector<1x1x2048x128xbf16>
    %get3A_347 = vector.shape_cast %get3A_346 : vector<1x1x2048x128xbf16> to vector<2048x128xbf16>
    %dot_general3A_348 = arith.constant dense<0.000000e+00> : vector<256x128xf32>
    %dot_general3A_349 = tpu.matmul %convert_element_type3A_341, %get3A_347, %dot_general3A_348 {dimension_numbers = #tpu.dot_dimension_numbers<[1], [0], [0], [1], [0, 0, 1, 1], [], []>, transpose_lhs_hint = false} : vector<256x2048xbf16>, vector<2048x128xbf16>, vector<256x128xf32> -> vector<256x128xf32>
    %add3A_350 = arith.addf %add3A_316, %dot_general3A_349 : vector<256x128xf32>
    %reduce_min3A_351 = arith.constant dense<0x7F800000> : vector<256xf32>
    %reduce_min3A_352 = vector.multi_reduction <minimumf>, %select_n3A_332, %reduce_min3A_351 [1] : vector<256x2048xf32> to vector<256xf32>
    %broadcast_in_dim3A_353 = vector.shape_cast %reduce_min3A_352 : vector<256xf32> to vector<256x1xf32>
    %eq3A_354 = vector.broadcast %broadcast_in_dim3A_353 : vector<256x1xf32> to vector<256x2048xf32>
    %eq3A_355 = arith.cmpf oeq, %select_n3A_332, %eq3A_354 : vector<256x2048xf32>
    %jit3A_356 = arith.constant 2048 : i32
    %broadcast_in_dim3A_357 = vector.broadcast %jit3A_356 : i32 to vector<256x2048xi32>
    %select_n3A_358 = arith.select %eq3A_355, %iota3A, %broadcast_in_dim3A_357 : vector<256x2048xi1>, vector<256x2048xi32>
    %reduce_min3A_359 = arith.constant dense<2147483647> : vector<256xi32>
    %reduce_min3A_360 = vector.multi_reduction <minsi>, %select_n3A_358, %reduce_min3A_359 [1] : vector<256x2048xi32> to vector<256xi32>
    %broadcast_in_dim3A_361 = vector.shape_cast %reduce_min3A_360 : vector<256xi32> to vector<256x1xi32>
    %eq3A_362 = vector.broadcast %broadcast_in_dim3A_361 : vector<256x1xi32> to vector<256x2048xi32>
    %eq3A_363 = arith.cmpi eq, %iota3A, %eq3A_362 : vector<256x2048xi32>
    %jit3A_364 = arith.constant 0x7F800000 : f32
    %broadcast_in_dim3A_365 = vector.broadcast %jit3A_364 : f32 to vector<256x2048xf32>
    %select_n3A_366 = arith.select %eq3A_363, %broadcast_in_dim3A_365, %select_n3A_332 : vector<256x2048xi1>, vector<256x2048xf32>
    %eq3A_367 = arith.constant 10 : i32
    %eq3A_368 = vector.broadcast %eq3A_367 : i32 to vector<256x16xi32>
    %eq3A_369 = arith.cmpi eq, %iota3A_28, %eq3A_368 : vector<256x16xi32>
    %broadcast_in_dim3A_370 = vector.shape_cast %broadcast_in_dim3A_361 : vector<256x1xi32> to vector<256x1xi32>
    %broadcast_in_dim3A_371 = vector.broadcast %broadcast_in_dim3A_370 : vector<256x1xi32> to vector<256x16xi32>
    %select_n3A_372 = arith.select %eq3A_369, %broadcast_in_dim3A_371, %select_n3A_338 : vector<256x16xi1>, vector<256x16xi32>
    %convert_element_type3A_373 = arith.extui %eq3A_363 : vector<256x2048xi1> to vector<256x2048xi32>
    %convert_element_type3A_374 = arith.sitofp %convert_element_type3A_373 : vector<256x2048xi32> to vector<256x2048xf32>
    %convert_element_type3A_375 = arith.truncf %convert_element_type3A_374 : vector<256x2048xf32> to vector<256x2048xbf16>
    %get3A_376 = arith.constant 0 : index
    %get3A_377 = arith.constant 10 : index
    %get3A_378 = arith.constant 0 : index
    %get3A_379 = arith.constant 0 : index
    %get3A_380 = vector.load %arg4[%get3A_376, %get3A_377, %get3A_378, %get3A_379] : memref<1x16x2048x128xbf16, #tpu.memory_space<vmem>>, vector<1x1x2048x128xbf16>
    %get3A_381 = vector.shape_cast %get3A_380 : vector<1x1x2048x128xbf16> to vector<2048x128xbf16>
    %dot_general3A_382 = arith.constant dense<0.000000e+00> : vector<256x128xf32>
    %dot_general3A_383 = tpu.matmul %convert_element_type3A_375, %get3A_381, %dot_general3A_382 {dimension_numbers = #tpu.dot_dimension_numbers<[1], [0], [0], [1], [0, 0, 1, 1], [], []>, transpose_lhs_hint = false} : vector<256x2048xbf16>, vector<2048x128xbf16>, vector<256x128xf32> -> vector<256x128xf32>
    %add3A_384 = arith.addf %add3A_350, %dot_general3A_383 : vector<256x128xf32>
    %reduce_min3A_385 = arith.constant dense<0x7F800000> : vector<256xf32>
    %reduce_min3A_386 = vector.multi_reduction <minimumf>, %select_n3A_366, %reduce_min3A_385 [1] : vector<256x2048xf32> to vector<256xf32>
    %broadcast_in_dim3A_387 = vector.shape_cast %reduce_min3A_386 : vector<256xf32> to vector<256x1xf32>
    %eq3A_388 = vector.broadcast %broadcast_in_dim3A_387 : vector<256x1xf32> to vector<256x2048xf32>
    %eq3A_389 = arith.cmpf oeq, %select_n3A_366, %eq3A_388 : vector<256x2048xf32>
    %jit3A_390 = arith.constant 2048 : i32
    %broadcast_in_dim3A_391 = vector.broadcast %jit3A_390 : i32 to vector<256x2048xi32>
    %select_n3A_392 = arith.select %eq3A_389, %iota3A, %broadcast_in_dim3A_391 : vector<256x2048xi1>, vector<256x2048xi32>
    %reduce_min3A_393 = arith.constant dense<2147483647> : vector<256xi32>
    %reduce_min3A_394 = vector.multi_reduction <minsi>, %select_n3A_392, %reduce_min3A_393 [1] : vector<256x2048xi32> to vector<256xi32>
    %broadcast_in_dim3A_395 = vector.shape_cast %reduce_min3A_394 : vector<256xi32> to vector<256x1xi32>
    %eq3A_396 = vector.broadcast %broadcast_in_dim3A_395 : vector<256x1xi32> to vector<256x2048xi32>
    %eq3A_397 = arith.cmpi eq, %iota3A, %eq3A_396 : vector<256x2048xi32>
    %jit3A_398 = arith.constant 0x7F800000 : f32
    %broadcast_in_dim3A_399 = vector.broadcast %jit3A_398 : f32 to vector<256x2048xf32>
    %select_n3A_400 = arith.select %eq3A_397, %broadcast_in_dim3A_399, %select_n3A_366 : vector<256x2048xi1>, vector<256x2048xf32>
    %eq3A_401 = arith.constant 11 : i32
    %eq3A_402 = vector.broadcast %eq3A_401 : i32 to vector<256x16xi32>
    %eq3A_403 = arith.cmpi eq, %iota3A_28, %eq3A_402 : vector<256x16xi32>
    %broadcast_in_dim3A_404 = vector.shape_cast %broadcast_in_dim3A_395 : vector<256x1xi32> to vector<256x1xi32>
    %broadcast_in_dim3A_405 = vector.broadcast %broadcast_in_dim3A_404 : vector<256x1xi32> to vector<256x16xi32>
    %select_n3A_406 = arith.select %eq3A_403, %broadcast_in_dim3A_405, %select_n3A_372 : vector<256x16xi1>, vector<256x16xi32>
    %convert_element_type3A_407 = arith.extui %eq3A_397 : vector<256x2048xi1> to vector<256x2048xi32>
    %convert_element_type3A_408 = arith.sitofp %convert_element_type3A_407 : vector<256x2048xi32> to vector<256x2048xf32>
    %convert_element_type3A_409 = arith.truncf %convert_element_type3A_408 : vector<256x2048xf32> to vector<256x2048xbf16>
    %get3A_410 = arith.constant 0 : index
    %get3A_411 = arith.constant 11 : index
    %get3A_412 = arith.constant 0 : index
    %get3A_413 = arith.constant 0 : index
    %get3A_414 = vector.load %arg4[%get3A_410, %get3A_411, %get3A_412, %get3A_413] : memref<1x16x2048x128xbf16, #tpu.memory_space<vmem>>, vector<1x1x2048x128xbf16>
    %get3A_415 = vector.shape_cast %get3A_414 : vector<1x1x2048x128xbf16> to vector<2048x128xbf16>
    %dot_general3A_416 = arith.constant dense<0.000000e+00> : vector<256x128xf32>
    %dot_general3A_417 = tpu.matmul %convert_element_type3A_409, %get3A_415, %dot_general3A_416 {dimension_numbers = #tpu.dot_dimension_numbers<[1], [0], [0], [1], [0, 0, 1, 1], [], []>, transpose_lhs_hint = false} : vector<256x2048xbf16>, vector<2048x128xbf16>, vector<256x128xf32> -> vector<256x128xf32>
    %add3A_418 = arith.addf %add3A_384, %dot_general3A_417 : vector<256x128xf32>
    %reduce_min3A_419 = arith.constant dense<0x7F800000> : vector<256xf32>
    %reduce_min3A_420 = vector.multi_reduction <minimumf>, %select_n3A_400, %reduce_min3A_419 [1] : vector<256x2048xf32> to vector<256xf32>
    %broadcast_in_dim3A_421 = vector.shape_cast %reduce_min3A_420 : vector<256xf32> to vector<256x1xf32>
    %eq3A_422 = vector.broadcast %broadcast_in_dim3A_421 : vector<256x1xf32> to vector<256x2048xf32>
    %eq3A_423 = arith.cmpf oeq, %select_n3A_400, %eq3A_422 : vector<256x2048xf32>
    %jit3A_424 = arith.constant 2048 : i32
    %broadcast_in_dim3A_425 = vector.broadcast %jit3A_424 : i32 to vector<256x2048xi32>
    %select_n3A_426 = arith.select %eq3A_423, %iota3A, %broadcast_in_dim3A_425 : vector<256x2048xi1>, vector<256x2048xi32>
    %reduce_min3A_427 = arith.constant dense<2147483647> : vector<256xi32>
    %reduce_min3A_428 = vector.multi_reduction <minsi>, %select_n3A_426, %reduce_min3A_427 [1] : vector<256x2048xi32> to vector<256xi32>
    %broadcast_in_dim3A_429 = vector.shape_cast %reduce_min3A_428 : vector<256xi32> to vector<256x1xi32>
    %eq3A_430 = vector.broadcast %broadcast_in_dim3A_429 : vector<256x1xi32> to vector<256x2048xi32>
    %eq3A_431 = arith.cmpi eq, %iota3A, %eq3A_430 : vector<256x2048xi32>
    %jit3A_432 = arith.constant 0x7F800000 : f32
    %broadcast_in_dim3A_433 = vector.broadcast %jit3A_432 : f32 to vector<256x2048xf32>
    %select_n3A_434 = arith.select %eq3A_431, %broadcast_in_dim3A_433, %select_n3A_400 : vector<256x2048xi1>, vector<256x2048xf32>
    %eq3A_435 = arith.constant 12 : i32
    %eq3A_436 = vector.broadcast %eq3A_435 : i32 to vector<256x16xi32>
    %eq3A_437 = arith.cmpi eq, %iota3A_28, %eq3A_436 : vector<256x16xi32>
    %broadcast_in_dim3A_438 = vector.shape_cast %broadcast_in_dim3A_429 : vector<256x1xi32> to vector<256x1xi32>
    %broadcast_in_dim3A_439 = vector.broadcast %broadcast_in_dim3A_438 : vector<256x1xi32> to vector<256x16xi32>
    %select_n3A_440 = arith.select %eq3A_437, %broadcast_in_dim3A_439, %select_n3A_406 : vector<256x16xi1>, vector<256x16xi32>
    %convert_element_type3A_441 = arith.extui %eq3A_431 : vector<256x2048xi1> to vector<256x2048xi32>
    %convert_element_type3A_442 = arith.sitofp %convert_element_type3A_441 : vector<256x2048xi32> to vector<256x2048xf32>
    %convert_element_type3A_443 = arith.truncf %convert_element_type3A_442 : vector<256x2048xf32> to vector<256x2048xbf16>
    %get3A_444 = arith.constant 0 : index
    %get3A_445 = arith.constant 12 : index
    %get3A_446 = arith.constant 0 : index
    %get3A_447 = arith.constant 0 : index
    %get3A_448 = vector.load %arg4[%get3A_444, %get3A_445, %get3A_446, %get3A_447] : memref<1x16x2048x128xbf16, #tpu.memory_space<vmem>>, vector<1x1x2048x128xbf16>
    %get3A_449 = vector.shape_cast %get3A_448 : vector<1x1x2048x128xbf16> to vector<2048x128xbf16>
    %dot_general3A_450 = arith.constant dense<0.000000e+00> : vector<256x128xf32>
    %dot_general3A_451 = tpu.matmul %convert_element_type3A_443, %get3A_449, %dot_general3A_450 {dimension_numbers = #tpu.dot_dimension_numbers<[1], [0], [0], [1], [0, 0, 1, 1], [], []>, transpose_lhs_hint = false} : vector<256x2048xbf16>, vector<2048x128xbf16>, vector<256x128xf32> -> vector<256x128xf32>
    %add3A_452 = arith.addf %add3A_418, %dot_general3A_451 : vector<256x128xf32>
    %reduce_min3A_453 = arith.constant dense<0x7F800000> : vector<256xf32>
    %reduce_min3A_454 = vector.multi_reduction <minimumf>, %select_n3A_434, %reduce_min3A_453 [1] : vector<256x2048xf32> to vector<256xf32>
    %broadcast_in_dim3A_455 = vector.shape_cast %reduce_min3A_454 : vector<256xf32> to vector<256x1xf32>
    %eq3A_456 = vector.broadcast %broadcast_in_dim3A_455 : vector<256x1xf32> to vector<256x2048xf32>
    %eq3A_457 = arith.cmpf oeq, %select_n3A_434, %eq3A_456 : vector<256x2048xf32>
    %jit3A_458 = arith.constant 2048 : i32
    %broadcast_in_dim3A_459 = vector.broadcast %jit3A_458 : i32 to vector<256x2048xi32>
    %select_n3A_460 = arith.select %eq3A_457, %iota3A, %broadcast_in_dim3A_459 : vector<256x2048xi1>, vector<256x2048xi32>
    %reduce_min3A_461 = arith.constant dense<2147483647> : vector<256xi32>
    %reduce_min3A_462 = vector.multi_reduction <minsi>, %select_n3A_460, %reduce_min3A_461 [1] : vector<256x2048xi32> to vector<256xi32>
    %broadcast_in_dim3A_463 = vector.shape_cast %reduce_min3A_462 : vector<256xi32> to vector<256x1xi32>
    %eq3A_464 = vector.broadcast %broadcast_in_dim3A_463 : vector<256x1xi32> to vector<256x2048xi32>
    %eq3A_465 = arith.cmpi eq, %iota3A, %eq3A_464 : vector<256x2048xi32>
    %jit3A_466 = arith.constant 0x7F800000 : f32
    %broadcast_in_dim3A_467 = vector.broadcast %jit3A_466 : f32 to vector<256x2048xf32>
    %select_n3A_468 = arith.select %eq3A_465, %broadcast_in_dim3A_467, %select_n3A_434 : vector<256x2048xi1>, vector<256x2048xf32>
    %eq3A_469 = arith.constant 13 : i32
    %eq3A_470 = vector.broadcast %eq3A_469 : i32 to vector<256x16xi32>
    %eq3A_471 = arith.cmpi eq, %iota3A_28, %eq3A_470 : vector<256x16xi32>
    %broadcast_in_dim3A_472 = vector.shape_cast %broadcast_in_dim3A_463 : vector<256x1xi32> to vector<256x1xi32>
    %broadcast_in_dim3A_473 = vector.broadcast %broadcast_in_dim3A_472 : vector<256x1xi32> to vector<256x16xi32>
    %select_n3A_474 = arith.select %eq3A_471, %broadcast_in_dim3A_473, %select_n3A_440 : vector<256x16xi1>, vector<256x16xi32>
    %convert_element_type3A_475 = arith.extui %eq3A_465 : vector<256x2048xi1> to vector<256x2048xi32>
    %convert_element_type3A_476 = arith.sitofp %convert_element_type3A_475 : vector<256x2048xi32> to vector<256x2048xf32>
    %convert_element_type3A_477 = arith.truncf %convert_element_type3A_476 : vector<256x2048xf32> to vector<256x2048xbf16>
    %get3A_478 = arith.constant 0 : index
    %get3A_479 = arith.constant 13 : index
    %get3A_480 = arith.constant 0 : index
    %get3A_481 = arith.constant 0 : index
    %get3A_482 = vector.load %arg4[%get3A_478, %get3A_479, %get3A_480, %get3A_481] : memref<1x16x2048x128xbf16, #tpu.memory_space<vmem>>, vector<1x1x2048x128xbf16>
    %get3A_483 = vector.shape_cast %get3A_482 : vector<1x1x2048x128xbf16> to vector<2048x128xbf16>
    %dot_general3A_484 = arith.constant dense<0.000000e+00> : vector<256x128xf32>
    %dot_general3A_485 = tpu.matmul %convert_element_type3A_477, %get3A_483, %dot_general3A_484 {dimension_numbers = #tpu.dot_dimension_numbers<[1], [0], [0], [1], [0, 0, 1, 1], [], []>, transpose_lhs_hint = false} : vector<256x2048xbf16>, vector<2048x128xbf16>, vector<256x128xf32> -> vector<256x128xf32>
    %add3A_486 = arith.addf %add3A_452, %dot_general3A_485 : vector<256x128xf32>
    %reduce_min3A_487 = arith.constant dense<0x7F800000> : vector<256xf32>
    %reduce_min3A_488 = vector.multi_reduction <minimumf>, %select_n3A_468, %reduce_min3A_487 [1] : vector<256x2048xf32> to vector<256xf32>
    %broadcast_in_dim3A_489 = vector.shape_cast %reduce_min3A_488 : vector<256xf32> to vector<256x1xf32>
    %eq3A_490 = vector.broadcast %broadcast_in_dim3A_489 : vector<256x1xf32> to vector<256x2048xf32>
    %eq3A_491 = arith.cmpf oeq, %select_n3A_468, %eq3A_490 : vector<256x2048xf32>
    %jit3A_492 = arith.constant 2048 : i32
    %broadcast_in_dim3A_493 = vector.broadcast %jit3A_492 : i32 to vector<256x2048xi32>
    %select_n3A_494 = arith.select %eq3A_491, %iota3A, %broadcast_in_dim3A_493 : vector<256x2048xi1>, vector<256x2048xi32>
    %reduce_min3A_495 = arith.constant dense<2147483647> : vector<256xi32>
    %reduce_min3A_496 = vector.multi_reduction <minsi>, %select_n3A_494, %reduce_min3A_495 [1] : vector<256x2048xi32> to vector<256xi32>
    %broadcast_in_dim3A_497 = vector.shape_cast %reduce_min3A_496 : vector<256xi32> to vector<256x1xi32>
    %eq3A_498 = vector.broadcast %broadcast_in_dim3A_497 : vector<256x1xi32> to vector<256x2048xi32>
    %eq3A_499 = arith.cmpi eq, %iota3A, %eq3A_498 : vector<256x2048xi32>
    %jit3A_500 = arith.constant 0x7F800000 : f32
    %broadcast_in_dim3A_501 = vector.broadcast %jit3A_500 : f32 to vector<256x2048xf32>
    %select_n3A_502 = arith.select %eq3A_499, %broadcast_in_dim3A_501, %select_n3A_468 : vector<256x2048xi1>, vector<256x2048xf32>
    %eq3A_503 = arith.constant 14 : i32
    %eq3A_504 = vector.broadcast %eq3A_503 : i32 to vector<256x16xi32>
    %eq3A_505 = arith.cmpi eq, %iota3A_28, %eq3A_504 : vector<256x16xi32>
    %broadcast_in_dim3A_506 = vector.shape_cast %broadcast_in_dim3A_497 : vector<256x1xi32> to vector<256x1xi32>
    %broadcast_in_dim3A_507 = vector.broadcast %broadcast_in_dim3A_506 : vector<256x1xi32> to vector<256x16xi32>
    %select_n3A_508 = arith.select %eq3A_505, %broadcast_in_dim3A_507, %select_n3A_474 : vector<256x16xi1>, vector<256x16xi32>
    %convert_element_type3A_509 = arith.extui %eq3A_499 : vector<256x2048xi1> to vector<256x2048xi32>
    %convert_element_type3A_510 = arith.sitofp %convert_element_type3A_509 : vector<256x2048xi32> to vector<256x2048xf32>
    %convert_element_type3A_511 = arith.truncf %convert_element_type3A_510 : vector<256x2048xf32> to vector<256x2048xbf16>
    %get3A_512 = arith.constant 0 : index
    %get3A_513 = arith.constant 14 : index
    %get3A_514 = arith.constant 0 : index
    %get3A_515 = arith.constant 0 : index
    %get3A_516 = vector.load %arg4[%get3A_512, %get3A_513, %get3A_514, %get3A_515] : memref<1x16x2048x128xbf16, #tpu.memory_space<vmem>>, vector<1x1x2048x128xbf16>
    %get3A_517 = vector.shape_cast %get3A_516 : vector<1x1x2048x128xbf16> to vector<2048x128xbf16>
    %dot_general3A_518 = arith.constant dense<0.000000e+00> : vector<256x128xf32>
    %dot_general3A_519 = tpu.matmul %convert_element_type3A_511, %get3A_517, %dot_general3A_518 {dimension_numbers = #tpu.dot_dimension_numbers<[1], [0], [0], [1], [0, 0, 1, 1], [], []>, transpose_lhs_hint = false} : vector<256x2048xbf16>, vector<2048x128xbf16>, vector<256x128xf32> -> vector<256x128xf32>
    %add3A_520 = arith.addf %add3A_486, %dot_general3A_519 : vector<256x128xf32>
    %reduce_min3A_521 = arith.constant dense<0x7F800000> : vector<256xf32>
    %reduce_min3A_522 = vector.multi_reduction <minimumf>, %select_n3A_502, %reduce_min3A_521 [1] : vector<256x2048xf32> to vector<256xf32>
    %broadcast_in_dim3A_523 = vector.shape_cast %reduce_min3A_522 : vector<256xf32> to vector<256x1xf32>
    %eq3A_524 = vector.broadcast %broadcast_in_dim3A_523 : vector<256x1xf32> to vector<256x2048xf32>
    %eq3A_525 = arith.cmpf oeq, %select_n3A_502, %eq3A_524 : vector<256x2048xf32>
    %jit3A_526 = arith.constant 2048 : i32
    %broadcast_in_dim3A_527 = vector.broadcast %jit3A_526 : i32 to vector<256x2048xi32>
    %select_n3A_528 = arith.select %eq3A_525, %iota3A, %broadcast_in_dim3A_527 : vector<256x2048xi1>, vector<256x2048xi32>
    %reduce_min3A_529 = arith.constant dense<2147483647> : vector<256xi32>
    %reduce_min3A_530 = vector.multi_reduction <minsi>, %select_n3A_528, %reduce_min3A_529 [1] : vector<256x2048xi32> to vector<256xi32>
    %broadcast_in_dim3A_531 = vector.shape_cast %reduce_min3A_530 : vector<256xi32> to vector<256x1xi32>
    %eq3A_532 = vector.broadcast %broadcast_in_dim3A_531 : vector<256x1xi32> to vector<256x2048xi32>
    %eq3A_533 = arith.cmpi eq, %iota3A, %eq3A_532 : vector<256x2048xi32>
    %eq3A_534 = arith.constant 15 : i32
    %eq3A_535 = vector.broadcast %eq3A_534 : i32 to vector<256x16xi32>
    %eq3A_536 = arith.cmpi eq, %iota3A_28, %eq3A_535 : vector<256x16xi32>
    %broadcast_in_dim3A_537 = vector.shape_cast %broadcast_in_dim3A_531 : vector<256x1xi32> to vector<256x1xi32>
    %broadcast_in_dim3A_538 = vector.broadcast %broadcast_in_dim3A_537 : vector<256x1xi32> to vector<256x16xi32>
    %select_n3A_539 = arith.select %eq3A_536, %broadcast_in_dim3A_538, %select_n3A_508 : vector<256x16xi1>, vector<256x16xi32>
    %convert_element_type3A_540 = arith.extui %eq3A_533 : vector<256x2048xi1> to vector<256x2048xi32>
    %convert_element_type3A_541 = arith.sitofp %convert_element_type3A_540 : vector<256x2048xi32> to vector<256x2048xf32>
    %convert_element_type3A_542 = arith.truncf %convert_element_type3A_541 : vector<256x2048xf32> to vector<256x2048xbf16>
    %get3A_543 = arith.constant 0 : index
    %get3A_544 = arith.constant 15 : index
    %get3A_545 = arith.constant 0 : index
    %get3A_546 = arith.constant 0 : index
    %get3A_547 = vector.load %arg4[%get3A_543, %get3A_544, %get3A_545, %get3A_546] : memref<1x16x2048x128xbf16, #tpu.memory_space<vmem>>, vector<1x1x2048x128xbf16>
    %get3A_548 = vector.shape_cast %get3A_547 : vector<1x1x2048x128xbf16> to vector<2048x128xbf16>
    %dot_general3A_549 = arith.constant dense<0.000000e+00> : vector<256x128xf32>
    %dot_general3A_550 = tpu.matmul %convert_element_type3A_542, %get3A_548, %dot_general3A_549 {dimension_numbers = #tpu.dot_dimension_numbers<[1], [0], [0], [1], [0, 0, 1, 1], [], []>, transpose_lhs_hint = false} : vector<256x2048xbf16>, vector<2048x128xbf16>, vector<256x128xf32> -> vector<256x128xf32>
    %add3A_551 = arith.addf %add3A_520, %dot_general3A_550 : vector<256x128xf32>
    %slice3A_552 = vector.extract_strided_slice %add3A_551 {offsets = [0, 3], sizes = [256, 125], strides = [1, 1]} : vector<256x128xf32> to vector<256x125xf32>
    %slice3A_553 = vector.extract_strided_slice %add3A_551 {offsets = [0, 0], sizes = [256, 3], strides = [1, 1]} : vector<256x128xf32> to vector<256x3xf32>
    %concatenate3A = tpu.concatenate %slice3A_552, %slice3A_553 in 1 : vector<256x125xf32>, vector<256x3xf32> -> vector<256x128xf32>
    %add3A_554 = arith.addf %add3A_551, %concatenate3A : vector<256x128xf32>
    %broadcast_in_dim3A_555 = arith.constant 0.000000e+00 : f32
    %broadcast_in_dim3A_556 = vector.broadcast %broadcast_in_dim3A_555 : f32 to vector<256x128xf32>
    %eq3A_557 = arith.constant 0 : i32
    %eq3A_558 = vector.broadcast %eq3A_557 : i32 to vector<256x128xi32>
    %eq3A_559 = arith.cmpi eq, %and3A_31, %eq3A_558 : vector<256x128xi32>
    %ge3A = arith.constant 8 : i32
    %ge3A_560 = vector.broadcast %ge3A : i32 to vector<256x128xi32>
    %ge3A_561 = arith.cmpi sge, %iota3A_29, %ge3A_560 : vector<256x128xi32>
    %and3A_562 = arith.andi %eq3A_559, %ge3A_561 : vector<256x128xi1>
    %slice3A_563 = vector.extract_strided_slice %get3A_3 {offsets = [0, 0], sizes = [256, 1], strides = [1, 1]} : vector<256x128xf32> to vector<256x1xf32>
    %broadcast_in_dim3A_564 = vector.shape_cast %slice3A_563 : vector<256x1xf32> to vector<256x1xf32>
    %broadcast_in_dim3A_565 = vector.broadcast %broadcast_in_dim3A_564 : vector<256x1xf32> to vector<256x128xf32>
    %select_n3A_566 = arith.select %and3A_562, %broadcast_in_dim3A_565, %broadcast_in_dim3A_556 : vector<256x128xi1>, vector<256x128xf32>
    %eq3A_567 = arith.constant 1 : i32
    %eq3A_568 = vector.broadcast %eq3A_567 : i32 to vector<256x128xi32>
    %eq3A_569 = arith.cmpi eq, %and3A_31, %eq3A_568 : vector<256x128xi32>
    %ge3A_570 = arith.constant 8 : i32
    %ge3A_571 = vector.broadcast %ge3A_570 : i32 to vector<256x128xi32>
    %ge3A_572 = arith.cmpi sge, %iota3A_29, %ge3A_571 : vector<256x128xi32>
    %and3A_573 = arith.andi %eq3A_569, %ge3A_572 : vector<256x128xi1>
    %slice3A_574 = vector.extract_strided_slice %get3A_3 {offsets = [0, 1], sizes = [256, 1], strides = [1, 1]} : vector<256x128xf32> to vector<256x1xf32>
    %broadcast_in_dim3A_575 = vector.shape_cast %slice3A_574 : vector<256x1xf32> to vector<256x1xf32>
    %broadcast_in_dim3A_576 = vector.broadcast %broadcast_in_dim3A_575 : vector<256x1xf32> to vector<256x128xf32>
    %select_n3A_577 = arith.select %and3A_573, %broadcast_in_dim3A_576, %select_n3A_566 : vector<256x128xi1>, vector<256x128xf32>
    %eq3A_578 = arith.constant 2 : i32
    %eq3A_579 = vector.broadcast %eq3A_578 : i32 to vector<256x128xi32>
    %eq3A_580 = arith.cmpi eq, %and3A_31, %eq3A_579 : vector<256x128xi32>
    %ge3A_581 = arith.constant 8 : i32
    %ge3A_582 = vector.broadcast %ge3A_581 : i32 to vector<256x128xi32>
    %ge3A_583 = arith.cmpi sge, %iota3A_29, %ge3A_582 : vector<256x128xi32>
    %and3A_584 = arith.andi %eq3A_580, %ge3A_583 : vector<256x128xi1>
    %slice3A_585 = vector.extract_strided_slice %get3A_3 {offsets = [0, 2], sizes = [256, 1], strides = [1, 1]} : vector<256x128xf32> to vector<256x1xf32>
    %broadcast_in_dim3A_586 = vector.shape_cast %slice3A_585 : vector<256x1xf32> to vector<256x1xf32>
    %broadcast_in_dim3A_587 = vector.broadcast %broadcast_in_dim3A_586 : vector<256x1xf32> to vector<256x128xf32>
    %select_n3A_588 = arith.select %and3A_584, %broadcast_in_dim3A_587, %select_n3A_577 : vector<256x128xi1>, vector<256x128xf32>
    %lt3A = arith.constant 3 : i32
    %lt3A_589 = vector.broadcast %lt3A : i32 to vector<256x128xi32>
    %lt3A_590 = arith.cmpi slt, %and3A_31, %lt3A_589 : vector<256x128xi32>
    %sub3A_591 = arith.subf %add3A_554, %select_n3A_588 : vector<256x128xf32>
    %jit3A_592 = arith.constant 0.000000e+00 : f32
    %broadcast_in_dim3A_593 = vector.broadcast %jit3A_592 : f32 to vector<256x128xf32>
    %select_n3A_594 = arith.select %lt3A_590, %sub3A_591, %broadcast_in_dim3A_593 : vector<256x128xi1>, vector<256x128xf32>
    %broadcast_in_dim3A_595 = arith.constant 0.000000e+00 : f32
    %broadcast_in_dim3A_596 = vector.broadcast %broadcast_in_dim3A_595 : f32 to vector<256x128xf32>
    %broadcast_in_dim3A_597 = arith.constant 0.000000e+00 : f32
    %broadcast_in_dim3A_598 = vector.broadcast %broadcast_in_dim3A_597 : f32 to vector<256x128xf32>
    %eq3A_599 = arith.constant 0 : i32
    %eq3A_600 = vector.broadcast %eq3A_599 : i32 to vector<256x128xi32>
    %eq3A_601 = arith.cmpi eq, %and3A_31, %eq3A_600 : vector<256x128xi32>
    %slice3A_602 = vector.extract_strided_slice %get3A_3 {offsets = [0, 18], sizes = [256, 1], strides = [1, 1]} : vector<256x128xf32> to vector<256x1xf32>
    %broadcast_in_dim3A_603 = vector.shape_cast %slice3A_602 : vector<256x1xf32> to vector<256x1xf32>
    %broadcast_in_dim3A_604 = vector.broadcast %broadcast_in_dim3A_603 : vector<256x1xf32> to vector<256x128xf32>
    %select_n3A_605 = arith.select %eq3A_601, %broadcast_in_dim3A_604, %broadcast_in_dim3A_598 : vector<256x128xi1>, vector<256x128xf32>
    %slice3A_606 = vector.extract_strided_slice %select_n3A_594 {offsets = [0, 2], sizes = [256, 126], strides = [1, 1]} : vector<256x128xf32> to vector<256x126xf32>
    %slice3A_607 = vector.extract_strided_slice %select_n3A_594 {offsets = [0, 0], sizes = [256, 2], strides = [1, 1]} : vector<256x128xf32> to vector<256x2xf32>
    %concatenate3A_608 = tpu.concatenate %slice3A_606, %slice3A_607 in 1 : vector<256x126xf32>, vector<256x2xf32> -> vector<256x128xf32>
    %mul3A_609 = arith.mulf %select_n3A_605, %concatenate3A_608 : vector<256x128xf32>
    %add3A_610 = arith.addf %broadcast_in_dim3A_596, %mul3A_609 : vector<256x128xf32>
    %broadcast_in_dim3A_611 = arith.constant 0.000000e+00 : f32
    %broadcast_in_dim3A_612 = vector.broadcast %broadcast_in_dim3A_611 : f32 to vector<256x128xf32>
    %eq3A_613 = arith.constant 0 : i32
    %eq3A_614 = vector.broadcast %eq3A_613 : i32 to vector<256x128xi32>
    %eq3A_615 = arith.cmpi eq, %and3A_31, %eq3A_614 : vector<256x128xi32>
    %slice3A_616 = vector.extract_strided_slice %get3A_3 {offsets = [0, 17], sizes = [256, 1], strides = [1, 1]} : vector<256x128xf32> to vector<256x1xf32>
    %broadcast_in_dim3A_617 = vector.shape_cast %slice3A_616 : vector<256x1xf32> to vector<256x1xf32>
    %broadcast_in_dim3A_618 = vector.broadcast %broadcast_in_dim3A_617 : vector<256x1xf32> to vector<256x128xf32>
    %select_n3A_619 = arith.select %eq3A_615, %broadcast_in_dim3A_618, %broadcast_in_dim3A_612 : vector<256x128xi1>, vector<256x128xf32>
    %eq3A_620 = arith.constant 1 : i32
    %eq3A_621 = vector.broadcast %eq3A_620 : i32 to vector<256x128xi32>
    %eq3A_622 = arith.cmpi eq, %and3A_31, %eq3A_621 : vector<256x128xi32>
    %slice3A_623 = vector.extract_strided_slice %get3A_3 {offsets = [0, 21], sizes = [256, 1], strides = [1, 1]} : vector<256x128xf32> to vector<256x1xf32>
    %broadcast_in_dim3A_624 = vector.shape_cast %slice3A_623 : vector<256x1xf32> to vector<256x1xf32>
    %broadcast_in_dim3A_625 = vector.broadcast %broadcast_in_dim3A_624 : vector<256x1xf32> to vector<256x128xf32>
    %select_n3A_626 = arith.select %eq3A_622, %broadcast_in_dim3A_625, %select_n3A_619 : vector<256x128xi1>, vector<256x128xf32>
    %slice3A_627 = vector.extract_strided_slice %select_n3A_594 {offsets = [0, 1], sizes = [256, 127], strides = [1, 1]} : vector<256x128xf32> to vector<256x127xf32>
    %slice3A_628 = vector.extract_strided_slice %select_n3A_594 {offsets = [0, 0], sizes = [256, 1], strides = [1, 1]} : vector<256x128xf32> to vector<256x1xf32>
    %concatenate3A_629 = tpu.concatenate %slice3A_627, %slice3A_628 in 1 : vector<256x127xf32>, vector<256x1xf32> -> vector<256x128xf32>
    %mul3A_630 = arith.mulf %select_n3A_626, %concatenate3A_629 : vector<256x128xf32>
    %add3A_631 = arith.addf %add3A_610, %mul3A_630 : vector<256x128xf32>
    %broadcast_in_dim3A_632 = arith.constant 0.000000e+00 : f32
    %broadcast_in_dim3A_633 = vector.broadcast %broadcast_in_dim3A_632 : f32 to vector<256x128xf32>
    %eq3A_634 = arith.constant 0 : i32
    %eq3A_635 = vector.broadcast %eq3A_634 : i32 to vector<256x128xi32>
    %eq3A_636 = arith.cmpi eq, %and3A_31, %eq3A_635 : vector<256x128xi32>
    %slice3A_637 = vector.extract_strided_slice %get3A_3 {offsets = [0, 16], sizes = [256, 1], strides = [1, 1]} : vector<256x128xf32> to vector<256x1xf32>
    %broadcast_in_dim3A_638 = vector.shape_cast %slice3A_637 : vector<256x1xf32> to vector<256x1xf32>
    %broadcast_in_dim3A_639 = vector.broadcast %broadcast_in_dim3A_638 : vector<256x1xf32> to vector<256x128xf32>
    %select_n3A_640 = arith.select %eq3A_636, %broadcast_in_dim3A_639, %broadcast_in_dim3A_633 : vector<256x128xi1>, vector<256x128xf32>
    %eq3A_641 = arith.constant 1 : i32
    %eq3A_642 = vector.broadcast %eq3A_641 : i32 to vector<256x128xi32>
    %eq3A_643 = arith.cmpi eq, %and3A_31, %eq3A_642 : vector<256x128xi32>
    %slice3A_644 = vector.extract_strided_slice %get3A_3 {offsets = [0, 20], sizes = [256, 1], strides = [1, 1]} : vector<256x128xf32> to vector<256x1xf32>
    %broadcast_in_dim3A_645 = vector.shape_cast %slice3A_644 : vector<256x1xf32> to vector<256x1xf32>
    %broadcast_in_dim3A_646 = vector.broadcast %broadcast_in_dim3A_645 : vector<256x1xf32> to vector<256x128xf32>
    %select_n3A_647 = arith.select %eq3A_643, %broadcast_in_dim3A_646, %select_n3A_640 : vector<256x128xi1>, vector<256x128xf32>
    %eq3A_648 = arith.constant 2 : i32
    %eq3A_649 = vector.broadcast %eq3A_648 : i32 to vector<256x128xi32>
    %eq3A_650 = arith.cmpi eq, %and3A_31, %eq3A_649 : vector<256x128xi32>
    %slice3A_651 = vector.extract_strided_slice %get3A_3 {offsets = [0, 24], sizes = [256, 1], strides = [1, 1]} : vector<256x128xf32> to vector<256x1xf32>
    %broadcast_in_dim3A_652 = vector.shape_cast %slice3A_651 : vector<256x1xf32> to vector<256x1xf32>
    %broadcast_in_dim3A_653 = vector.broadcast %broadcast_in_dim3A_652 : vector<256x1xf32> to vector<256x128xf32>
    %select_n3A_654 = arith.select %eq3A_650, %broadcast_in_dim3A_653, %select_n3A_647 : vector<256x128xi1>, vector<256x128xf32>
    %mul3A_655 = arith.mulf %select_n3A_654, %select_n3A_594 : vector<256x128xf32>
    %add3A_656 = arith.addf %add3A_631, %mul3A_655 : vector<256x128xf32>
    %broadcast_in_dim3A_657 = arith.constant 0.000000e+00 : f32
    %broadcast_in_dim3A_658 = vector.broadcast %broadcast_in_dim3A_657 : f32 to vector<256x128xf32>
    %eq3A_659 = arith.constant 1 : i32
    %eq3A_660 = vector.broadcast %eq3A_659 : i32 to vector<256x128xi32>
    %eq3A_661 = arith.cmpi eq, %and3A_31, %eq3A_660 : vector<256x128xi32>
    %slice3A_662 = vector.extract_strided_slice %get3A_3 {offsets = [0, 19], sizes = [256, 1], strides = [1, 1]} : vector<256x128xf32> to vector<256x1xf32>
    %broadcast_in_dim3A_663 = vector.shape_cast %slice3A_662 : vector<256x1xf32> to vector<256x1xf32>
    %broadcast_in_dim3A_664 = vector.broadcast %broadcast_in_dim3A_663 : vector<256x1xf32> to vector<256x128xf32>
    %select_n3A_665 = arith.select %eq3A_661, %broadcast_in_dim3A_664, %broadcast_in_dim3A_658 : vector<256x128xi1>, vector<256x128xf32>
    %eq3A_666 = arith.constant 2 : i32
    %eq3A_667 = vector.broadcast %eq3A_666 : i32 to vector<256x128xi32>
    %eq3A_668 = arith.cmpi eq, %and3A_31, %eq3A_667 : vector<256x128xi32>
    %slice3A_669 = vector.extract_strided_slice %get3A_3 {offsets = [0, 23], sizes = [256, 1], strides = [1, 1]} : vector<256x128xf32> to vector<256x1xf32>
    %broadcast_in_dim3A_670 = vector.shape_cast %slice3A_669 : vector<256x1xf32> to vector<256x1xf32>
    %broadcast_in_dim3A_671 = vector.broadcast %broadcast_in_dim3A_670 : vector<256x1xf32> to vector<256x128xf32>
    %select_n3A_672 = arith.select %eq3A_668, %broadcast_in_dim3A_671, %select_n3A_665 : vector<256x128xi1>, vector<256x128xf32>
    %slice3A_673 = vector.extract_strided_slice %select_n3A_594 {offsets = [0, 127], sizes = [256, 1], strides = [1, 1]} : vector<256x128xf32> to vector<256x1xf32>
    %slice3A_674 = vector.extract_strided_slice %select_n3A_594 {offsets = [0, 0], sizes = [256, 127], strides = [1, 1]} : vector<256x128xf32> to vector<256x127xf32>
    %concatenate3A_675 = tpu.concatenate %slice3A_673, %slice3A_674 in 1 : vector<256x1xf32>, vector<256x127xf32> -> vector<256x128xf32>
    %mul3A_676 = arith.mulf %select_n3A_672, %concatenate3A_675 : vector<256x128xf32>
    %add3A_677 = arith.addf %add3A_656, %mul3A_676 : vector<256x128xf32>
    %broadcast_in_dim3A_678 = arith.constant 0.000000e+00 : f32
    %broadcast_in_dim3A_679 = vector.broadcast %broadcast_in_dim3A_678 : f32 to vector<256x128xf32>
    %eq3A_680 = arith.constant 2 : i32
    %eq3A_681 = vector.broadcast %eq3A_680 : i32 to vector<256x128xi32>
    %eq3A_682 = arith.cmpi eq, %and3A_31, %eq3A_681 : vector<256x128xi32>
    %slice3A_683 = vector.extract_strided_slice %get3A_3 {offsets = [0, 22], sizes = [256, 1], strides = [1, 1]} : vector<256x128xf32> to vector<256x1xf32>
    %broadcast_in_dim3A_684 = vector.shape_cast %slice3A_683 : vector<256x1xf32> to vector<256x1xf32>
    %broadcast_in_dim3A_685 = vector.broadcast %broadcast_in_dim3A_684 : vector<256x1xf32> to vector<256x128xf32>
    %select_n3A_686 = arith.select %eq3A_682, %broadcast_in_dim3A_685, %broadcast_in_dim3A_679 : vector<256x128xi1>, vector<256x128xf32>
    %slice3A_687 = vector.extract_strided_slice %select_n3A_594 {offsets = [0, 126], sizes = [256, 2], strides = [1, 1]} : vector<256x128xf32> to vector<256x2xf32>
    %slice3A_688 = vector.extract_strided_slice %select_n3A_594 {offsets = [0, 0], sizes = [256, 126], strides = [1, 1]} : vector<256x128xf32> to vector<256x126xf32>
    %concatenate3A_689 = tpu.concatenate %slice3A_687, %slice3A_688 in 1 : vector<256x2xf32>, vector<256x126xf32> -> vector<256x128xf32>
    %mul3A_690 = arith.mulf %select_n3A_686, %concatenate3A_689 : vector<256x128xf32>
    %add3A_691 = arith.addf %add3A_677, %mul3A_690 : vector<256x128xf32>
    %mul3A_692 = arith.constant 2048 : i32
    %mul3A_693 = arith.muli %arg0, %mul3A_692 : i32
    %add3A_694 = vector.broadcast %mul3A_693 : i32 to vector<256x16xi32>
    %add3A_695 = arith.addi %select_n3A_539, %add3A_694 : vector<256x16xi32>
    %swap3A = arith.constant 0 : index
    %swap3A_696 = arith.constant 0 : index
    %swap3A_697 = vector.load %arg5[%swap3A, %swap3A_696] : memref<256x16xi32, #tpu.memory_space<vmem>>, vector<256x16xi32>
    tpu.vector_store %arg5[%swap3A, %swap3A_696], %add3A_695 {strides = array<i32>} : memref<256x16xi32, #tpu.memory_space<vmem>>, vector<256x16xi32>,
    %swap3A_698 = arith.constant 0 : index
    %swap3A_699 = arith.constant 0 : index
    %swap3A_700 = arith.constant 0 : index
    %swap3A_701 = vector.load %arg6[%swap3A_698, %swap3A_699, %swap3A_700] : memref<1x256x128xf32, #tpu.memory_space<vmem>>, vector<1x256x128xf32>
    %swap3A_702 = vector.shape_cast %swap3A_701 : vector<1x256x128xf32> to vector<256x128xf32>
    %swap3A_703 = vector.shape_cast %add3A_691 : vector<256x128xf32> to vector<1x256x128xf32>
    tpu.vector_store %arg6[%swap3A_698, %swap3A_699, %swap3A_700], %swap3A_703 {strides = array<i32>} : memref<1x256x128xf32, #tpu.memory_space<vmem>>, vector<1x256x128xf32>,
    return
  }
  func.func @transform_0(%arg0: i32, %arg1: i32) -> (i32, i32, i32) {
    %c0_i32 = arith.constant 0 : i32
    %c0_i32_0 = arith.constant 0 : i32
    return %arg0, %arg1, %c0_i32 : i32, i32, i32
  }
  func.func @transform_1(%arg0: i32, %arg1: i32) -> (i32, i32, i32) {
    %c0_i32 = arith.constant 0 : i32
    %c0_i32_0 = arith.constant 0 : i32
    %c0_i32_1 = arith.constant 0 : i32
    return %arg0, %c0_i32, %c0_i32_0 : i32, i32, i32
  }
  func.func @transform_2(%arg0: i32, %arg1: i32) -> (i32, i32, i32, i32) {
    %c0_i32 = arith.constant 0 : i32
    %c0_i32_0 = arith.constant 0 : i32
    %c0_i32_1 = arith.constant 0 : i32
    %c0_i32_2 = arith.constant 0 : i32
    return %arg0, %c0_i32, %c0_i32_0, %c0_i32_1 : i32, i32, i32, i32
  }
  func.func @transform_3(%arg0: i32, %arg1: i32) -> (i32, i32) {
    %mul3A = arith.constant 8 : i32
    %mul3A_0 = arith.muli %arg0, %mul3A : i32
    %add3A = arith.addi %mul3A_0, %arg1 : i32
    %c0_i32 = arith.constant 0 : i32
    %c0_i32_1 = arith.constant 0 : i32
    return %add3A, %c0_i32 : i32, i32
  }
  func.func @transform_4(%arg0: i32, %arg1: i32) -> (i32, i32, i32) {
    %c0_i32 = arith.constant 0 : i32
    %c0_i32_0 = arith.constant 0 : i32
    return %arg0, %arg1, %c0_i32 : i32, i32, i32
  }
}

</mosaic_0001>

<sc_bundles>
// kernel: kernel.4.cloned.1.call-start
scs
__scs_entry_jumppad:
0x0: {  	(pc) =	sbr.rel $0x88, $3  }
0x1: {  	(tag) =	ssettag $0x0;
	lr =	simm.s32 $0x1  }
0x2: {  	[smem:$0x3F9E] =	sst lr;
	_ =	strace $0xD0000000  }
0x3: {  	_ = 	snop  }
0x4: {  	_ = 	snop  }
0x5: {  	_ = 	snop  }
0x6: {  	_ = 	snop  }
0x7: {  	_ = 	snop  }
__scs_overlays_trampoline_lowered:
0x8: {  	[smem:$0x3FAD] =	sst s0  }
0x9: {  	[smem:$0x3FAE] =	sst s1  }
0xa: {  	[smem:$0x3FAF] =	sst s2  }
0xb: {  	[smem:$0x3FB0] =	sst s3  }
0xc: {  	[smem:$0x3FB1] =	sst s4  }
0xd: {  	[smem:$0x3FB2] =	sst s5  }
0xe: {  	[smem:$0x3FB3] =	sst s6  }
0xf: {  	[smem:$0x3FB4] =	sst s7  }
0x10: {  	[smem:$0x3FB5] =	sst s8  }
0x11: {  	[smem:$0x3FB6] =	sst s9;
	s0 =	simm.s32 @!p0 $0x0  }
0x12: {  	s1 =	sld [smem:$0x3F9C];
	s0 =	simm.s32 @p0 $0x1  }
0x13: {  	[smem:$0x3FB7] =	sst s0;
	s0 =	simm.s32 @!p1 $0x0  }
0x14: {  	s2 =	sld [smem:$0x3F9B];
	s0 =	simm.s32 @p1 $0x1  }
0x15: {  	[smem:$0x3FB8] =	sst s0;
	s0 =	simm.s32 @!p2 $0x0  }
0x16: {  	s3 =	sld [smem:$0x3FDB];
	s0 =	simm.s32 @p2 $0x1  }
0x17: {  	s4 =	simm.s32 $0x1BF5;
	[smem:$0x3FBA] =	sst s0  }
0x18: {  	s0 =	sld [smem:$0x3F9D];
	_ =	swait.ge [sflag:s4], $0x0  }
0x19: {  	s7 =	sld [smem:$0x3F9E]  }
0x1a: {  	s8 =	sadd.s32 $0xFFFFE003, lr  }
0x1b: {  	s9 =	sadd.s32 $0xFFFFFEF7, lr;
	s5 =	simm.s32 $0xFFFFFFFF;
	p2 =	slt.u32 s8, $0xFFFFF086  }
0x1c: {  	p1 =	slt.u32 s9, $0xF7A;
	s5 =	simm.s32 @!p2 $0x0  }
0x1d: {  	s5 =	simm.s32 @p1 $0x1;
	p0 =	seq.s32 s7, s2  }
0x1e: {  	s7 =	smul.u32 @!p0 $0xF7A, s2;
	p2 =	seq.s32 @!p0 s5, $0x0  }
0x1f: {  	s9 =	smul.u32 $0xF7A, s1;
	s8 =	simm.s32 @!p0 $0x1BF5;
	p2 =	por !p2, p0  }
0x20: {  	[sflag:s8] =	ssyncset.s32 @!p0 $0xFFFFF086;
	s6 =	sadd.s32 @!p0 s3, s7;
	s7 =	simm.s32 @!p0 $0x108  }
0x21: {  	s3 =	sadd.s32 s3, s9;
	s6 =	sadd.s32 @!p0 $0x88, s6;
	s7 =	simm.s32 @p2 $0x1082  }
0x22: {  	[simem:s7], [sflag:s8] =	dma.local @!p0 [hbm:s6], $0xF7A  }
0x23: {  	s9 =	sor.u32 $0xD0000000, s2;
	s6 =	simm.s32 $0x108;
	_ =	swait.ge @!p0 [sflag:s8], $0x0  }
0x24: {  	s3 =	sadd.s32 $0x88, s3;
	s6 =	simm.s32 @!p1 $0x1082;
	[sflag:s4] =	ssyncset.s32 $0xFFFFF086  }
0x25: {  	[simem:s6], [sflag:s4] =	dma.local [hbm:s3], $0xF7A  }
0x26: {  	[smem:$0x3F9E] =	sst s1;
	(tag) =	ssettag s2;
	_ =	strace s9  }
0x27: {  	s1 =	sld [smem:$0x3FAE]  }
0x28: {  	s2 =	sld [smem:$0x3FAF]  }
0x29: {  	s4 =	sld [smem:$0x3FB1]  }
0x2a: {  	p0 =	seq.s32 s5, $0x0;
	s5 =	sld [smem:$0x3FB2]  }
0x2b: {  	s6 =	sld [smem:$0x3FB3]  }
0x2c: {  	s7 =	sld [smem:$0x3FB4]  }
0x2d: {  	s3 =	simm.s32 $0x108;
	s8 =	sld [smem:$0x3FB5]  }
0x2e: {  	s3 =	simm.s32 @!p0 $0x1082;
	s9 =	sld [smem:$0x3FB6]  }
0x2f: {  	lr =	sadd.s32 s0, s3;
	s0 =	sld [smem:$0x3FAD]  }
0x30: {  	s3 =	sld [smem:$0x3FB0]  }
0x31: {  	[smem:$0x3FB9] =	sst s10  }
0x32: {  	s10 =	sld [smem:$0x3FB7];
	_ =	sdelay $0x3  }
0x33: {  	p0 =	seq.s32 s10, $0x1;
	s10 =	sld [smem:$0x3FB9];
	_ =	sdelay $0x3  }
0x34: {  	[smem:$0x3FB9] =	sst s10  }
0x35: {  	s10 =	sld [smem:$0x3FB8];
	_ =	sdelay $0x3  }
0x36: {  	p1 =	seq.s32 s10, $0x1;
	s10 =	sld [smem:$0x3FB9];
	_ =	sdelay $0x3  }
0x37: {  	[smem:$0x3FB9] =	sst s10  }
0x38: {  	s10 =	sld [smem:$0x3FBA]  }
0x39: {  	_ = 	snop;
	(pc) =	sbr.ind lr, $3  }
0x3a: {  	_ = 	snop  }
0x3b: {  	_ = 	snop  }
0x3c: {  	p2 =	seq.s32 s10, $0x1;
	s10 =	sld [smem:$0x3FB9]  }
0x3d: {  	_ =	shalt  }
0x3e: {  	_ =	shalt  }
0x3f: {  	_ =	shalt  }
0x40: {  	_ =	shalt  }
0x41: {  	_ =	shalt  }
0x42: {  	_ =	shalt  }
0x43: {  	_ =	shalt  }
0x44: {  	_ =	shalt  }
0x45: {  	_ =	shalt  }
0x46: {  	_ =	shalt  }
0x47: {  	_ =	shalt  }
0x48: {  	_ =	shalt  }
0x49: {  	_ =	shalt  }
0x4a: {  	_ =	shalt  }
0x4b: {  	_ =	shalt  }
0x4c: {  	_ =	shalt  }
0x4d: {  	_ =	shalt  }
0x4e: {  	_ =	shalt  }
0x4f: {  	_ =	shalt  }
0x50: {  	_ =	shalt  }
0x51: {  	_ =	shalt  }
0x52: {  	_ =	shalt  }
0x53: {  	_ =	shalt  }
0x54: {  	_ =	shalt  }
0x55: {  	_ =	shalt  }
0x56: {  	_ =	shalt  }
0x57: {  	_ =	shalt  }
0x58: {  	_ =	shalt  }
0x59: {  	_ =	shalt  }
0x5a: {  	_ =	shalt  }
0x5b: {  	_ =	shalt  }
0x5c: {  	_ =	shalt  }
0x5d: {  	_ =	shalt  }
0x5e: {  	_ =	shalt  }
0x5f: {  	_ =	shalt  }
0x60: {  	_ =	shalt  }
0x61: {  	_ =	shalt  }
0x62: {  	_ =	shalt  }
0x63: {  	_ =	shalt  }
0x64: {  	_ =	shalt  }
0x65: {  	_ =	shalt  }
0x66: {  	_ =	shalt  }
0x67: {  	_ =	shalt  }
0x68: {  	_ =	shalt  }
0x69: {  	_ =	shalt  }
0x6a: {  	_ =	shalt  }
0x6b: {  	_ =	shalt  }
0x6c: {  	_ =	shalt  }
0x6d: {  	_ =	shalt  }
0x6e: {  	_ =	shalt  }
0x6f: {  	_ =	shalt  }
0x70: {  	_ =	shalt  }
0x71: {  	_ =	shalt  }
0x72: {  	_ =	shalt  }
0x73: {  	_ =	shalt  }
0x74: {  	_ =	shalt  }
0x75: {  	_ =	shalt  }
0x76: {  	_ =	shalt  }
0x77: {  	_ =	shalt  }
0x78: {  	_ =	shalt  }
0x79: {  	_ =	shalt  }
0x7a: {  	_ =	shalt  }
0x7b: {  	_ =	shalt  }
0x7c: {  	_ =	shalt  }
0x7d: {  	_ =	shalt  }
0x7e: {  	_ =	shalt  }
0x7f: {  	_ =	shalt  }
0x80: {  	_ =	shalt  }
0x81: {  	_ =	shalt  }
0x82: {  	_ =	shalt  }
0x83: {  	_ =	shalt  }
0x84: {  	_ =	shalt  }
0x85: {  	_ =	shalt  }
0x86: {  	_ =	shalt  }
0x87: {  	_ =	shalt  }
.Lfunc_end0:
.L_simem_size_0:
called_computation_lowered:
.L_overlay_start_0:
0x88: {  	s2 =	sld [smem:$0x3FD9]  }
0x89: {  	s3 =	sld [smem:$0x3FFE];
	_ =	sdelay $0x1  }
0x8a: {  	s1 =	srdreg.scid  }
0x8b: {  	s0 =	sand.u32 $0x1, s1  }
0x8c: {  	s14 =	sshll.u32 s0, $0xA;
	s2 =	sadd.s32 s3, s2  }
0x8d: {  	s2 =	sadd.s32 s2, s14  }
0x8e: {  	[smem:$0x3FC5] =	sst s2  }
0x8f: {  	_ = 	snop  }
0x90: {  	s2 =	sld [smem:$0x3FD0];
	_ =	sdelay $0x2  }
0x91: {  	s4 =	simm.s32 $0xA;
	s5 =	simm.s32 $0x10;
	s15 =	sld [smem:$0x3FC8]  }
0x92: {  	[smem:s5], [sflag:s4] =	dma.local [hbm:s2], $0x1  }
0x93: {  	_ =	swait.eq [sflag:s4], $0x1  }
0x94: {  	[sflag:s4] =	ssyncset.done $0x0  }
0x95: {  	[sflag:s4] =	ssyncadd.s32 $0xFFFFFFFF  }
0x96: {  	s16 =	sld [smem:$0x11];
	(tm) =	ssettm $0x1  }
0x97: {  	s17 =	sld [smem:$0x3FFB];
	_ =	sdelay $0x3  }
0x98: {  	_ =	strace s17  }
0x99: {  	s4 =	sld [smem:$0x3FFC];
	_ =	sdelay $0x3  }
0x9a: {  	_ =	strace s4  }
0x9b: {  	s4 =	sld [smem:$0x3FFD];
	_ =	sdelay $0x3  }
0x9c: {  	_ =	strace s4  }
0x9d: {  	_ =	strace $0x8FFFFFFF  }
0x9e: {  	s18 =	sld [smem:$0x3FDB];
	_ =	sdelay $0x1  }
0x9f: {  	s19 =	simm.s32 $_scs_section_size  }
0xa0: {  	s6 =	simm.s32 $_size__tile_overlayer_lowered;
	s7 =	simm.s32 $_tile_overlayer_lowered  }
0xa1: {  	s22 =	simm.s32 $0x1BFF;
	s21 =	sshll.u32 s7, $0x1;
	s4 =	sadd.s32 s19, s18  }
0xa2: {  	s8 =	simm.s32 $0x0;
	s20 =	sshll.u32 s6, $0x1;
	s6 =	sadd.s32 s21, s4  }
0xa3: {  	[timem:s8], [sflag:s22] =	dma.local [hbm:s6], s20  }
0xa4: {  	_ =	swait.ge [sflag:s22], s20  }
0xa5: {  	s5 =	ssub.s32 $0x0, s20;
	[sflag:s22] =	ssyncset.done $0x0  }
0xa6: {  	[sflag:s22] =	ssyncadd.s32 s5;
	_ =	sdelay $0x1  }
0xa7: {  	s23 =	simm.s32 $0x1B8B  }
0xa8: {  	_ =	swait.ge [sflag:s23], $0x1  }
0xa9: {  	[sflag:s23] =	ssyncset.done $0x0  }
0xaa: {  	s25 =	simm.s32 $0x1B8E;
	s24 =	sld [smem:$0x3FFE];
	[sflag:s23] =	ssyncadd.s32 $0xFFFFFFFF  }
0xab: {  	s26 =	simm.s32 $execute0_lowered;
	[smem:$0x3FD2] =	sst s25  }
0xac: {  	s6 =	sshll.u32 s26, $0x1;
	_ =	strace $0x80000046;
	[dreg:$0x1] =	wrdreg $0xFFFFFFFF  }
0xad: {  	s28 =	simm.s32 $_size_execute0_lowered;
	s4 =	sadd.s32 s4, s6;
	[dreg:$0x0] =	wrdreg $0x0  }
0xae: {  	s6 =	sshll.u32 s28, $0x1;
	[dreg:$0x2] =	wrdreg s4  }
0xaf: {  	[dreg:$0x3] =	wrdreg s6  }
0xb0: {  	[dreg:$0x4] =	wrdreg $0xC0  }
0xb1: {  	_ =	task [dreg:s8], $0x5FFFF  }
0xb2: {  	[dreg:$0x1] =	wrdreg $0xFFFFFFFF  }
0xb3: {  	[dreg:$0x0] =	wrdreg $0x60  }
0xb4: {  	[dreg:$0x2] =	wrdreg s24  }
0xb5: {  	[dreg:$0x3] =	wrdreg s15  }
0xb6: {  	[dreg:$0x4] =	wrdreg s16  }
0xb7: {  	[dreg:$0x5] =	wrdreg $0x9  }
0xb8: {  	_ =	task.clear_ibuf [dreg:s8], $0x6FFFF;
	_ =	strace $0x90000046  }
0xb9: {  	s29 =	simm.s32 $0x9;
	_ =	strace $0x80000048  }
0xba: {  	_ =	swait.ge [sflag:s29], $0x1  }
0xbb: {  	[sflag:s29] =	ssyncadd.s32 $0xFFFFFFFF  }
0xbc: {  	_ =	strace $0x90000048  }
0xbd: {  	_ =	sfence  }
0xbe: {  	s30 =	sld [smem:$0x0];
	_ =	sdelay $0x2  }
0xbf: {  	s31 =	sshll.u32 s1, $0xD;
	s1 =	sshrl.u32 s1, $0x2  }
0xc0: {  	s3 =	sand.u32 $0x4000, s31;
	s1 =	sadd.s32 s1, s30  }
0xc1: {  	s0 =	sor.u32 s3, s0;
	s1 =	sshll.u32 s1, $0x11  }
0xc2: {  	s0 =	sor.u32 s1, s0  }
0xc3: {  	s0 =	sadd.s32 $0x8F2B, s0  }
0xc4: {  	[sflag:s0] =	ssyncadd.remote.s32 $0x1  }
0xc5: {  	_ =	sfence.sel $0xFFFF  }
0xc6: {  	[dreg:$0x0] =	wrdreg $0xFFFFFFFF;
	(pc) =	sbr.abs _section_cstart, $3  }
0xc7: {  	[dreg:$0x1] =	wrdreg $0xFFFFFFFF  }
0xc8: {  	_ =	task.clear_ibuf [dreg:s8], $0x2FFFF;
	_ =	strace $0x9FFFFFFF  }
0xc9: {  	(tm) =	ssettm $0x7FFFFFFF  }
tec
execute0_lowered:
.L_overlay_start_1:
0x0: {  	(tag) =	ssettag $0x1  }
0x1: {  	s4 =	rddreg [dreg:$0x0]  }
0x2: {  	s1 =	rddreg [dreg:$0x1]  }
0x3: {  	s6 =	rddreg [dreg:$0x2]  }
0x4: {  	s0 =	rddreg [dreg:$0x3];
	s5 =	srdreg.scid  }
0x5: {  	s3 =	simm.s32 $0x0;
	s2 =	stileid.u32;
	s24 =	simm.s32 $0x8800  }
0x6: {  	s26 =	simm.s32 $0x9000;
	s28 =	simm.s32 $0x9800;
	s29 =	simm.s32 $0xA000  }
0x7: {  	s30 =	simm.s32 $0xA800;
	s31 =	simm.s32 $0xB000;
	s10 =	simm.s32 $0xB800  }
0x8: {  	s11 =	simm.s32 $0xC800;
	s12 =	simm.s32 $0xD000;
	s13 =	simm.s32 $0xD800  }
0x9: {  	s14 =	simm.s32 $0xE000;
	s15 =	simm.s32 $0xE800;
	[smem:$0x7FF] =	sst s3  }
0xa: {  	s16 =	simm.s32 $0xF000;
	_ =	strace $0x80000047;
	[dreg:$0x4] =	wrdreg s24  }
0xb: {  	s17 =	simm.s32 $0xF800;
	s18 =	simm.s32 $0x1;
	[dreg:$0x5] =	wrdreg s26  }
0xc: {  	s19 =	simm.s32 $0x0;
	s7 =	sand.u32 $0x1, s5;
	[dreg:$0x6] =	wrdreg s28  }
0xd: {  	s21 =	sshll.u32 s2, $0xD;
	s25 =	sshll.u32 s2, $0x11;
	[dreg:$0x7] =	wrdreg s29  }
0xe: {  	s8 =	sshll.u32 s7, $0xC;
	s9 =	ssub.s32 $0x2, s7;
	[dreg:$0x8] =	wrdreg s30  }
0xf: {  	s6 =	sadd.s32 s25, s6;
	s7 =	sshll.u32 s7, $0x10;
	[dreg:$0x9] =	wrdreg s31  }
0x10: {  	[dreg:$0xa] =	wrdreg s10;
	s10 =	simm.s32 $0xC000;
	s5 =	sor.u32 s8, s21  }
0x11: {  	s22 =	sshrl.u32 s9, $0x1;
	s6 =	sadd.s32 s7, s6;
	s7 =	simm.s32 $0x2  }
0x12: {  	s8 =	simm.s32 $0x10;
	s4 =	sadd.s32 s5, s4;
	s23 =	ssub.s32 s9, s22  }
0x13: {  	s9 =	simm.s32 $0x8000;
	s4 =	sadd.s32 $0x800, s4;
	s5 =	smax.u32 s23, $0x1  }
.LBB2_1:
0x14: {  	[tilespmem:s3], [sflag:$0x2] =	stream.linear.gather [hbm4b:s4+s3], $0x8000, $0x38;
	[tilespmem:$0x10000] =	vst v63  }
0x15: {  	_ =	swait.ge [sflag:s7], $0x8000  }
0x16: {  	[sflag:s7] =	ssyncset.done $0x0  }
0x17: {  	s20 =	simm.s32 $0x0;
	[sflag:s7] =	ssyncadd.s32 $0xFFFF8000  }
0x18: {  	[tilespmem:s9], [sflag:$0x1] =	stream.indirect.gather [hbm4b:s1+s8], $0x80, s20, s8, $0xb8;
	[tilespmem:$0x10000] =	vst v63  }
0x19: {  	s29 =	simm.s32 $0x80;
	s21 =	rddreg [dreg:$0x4]  }
0x1a: {  	[tilespmem:s21], [sflag:$0x1] =	stream.indirect.gather [hbm4b:s1+s8], $0x80, s29, s8, $0xb8;
	[tilespmem:$0x10000] =	vst v63  }
0x1b: {  	s31 =	simm.s32 $0x100;
	s22 =	rddreg [dreg:$0x5]  }
0x1c: {  	[tilespmem:s22], [sflag:$0x1] =	stream.indirect.gather [hbm4b:s1+s8], $0x80, s31, s8, $0xb8;
	[tilespmem:$0x10000] =	vst v63  }
0x1d: {  	s23 =	simm.s32 $0x180;
	s30 =	rddreg [dreg:$0x6]  }
0x1e: {  	[tilespmem:s30], [sflag:$0x1] =	stream.indirect.gather [hbm4b:s1+s8], $0x80, s23, s8, $0xb8;
	[tilespmem:$0x10000] =	vst v63  }
0x1f: {  	s26 =	simm.s32 $0x200;
	s24 =	rddreg [dreg:$0x7]  }
0x20: {  	[tilespmem:s24], [sflag:$0x1] =	stream.indirect.gather [hbm4b:s1+s8], $0x80, s26, s8, $0xb8;
	[tilespmem:$0x10000] =	vst v63  }
0x21: {  	s28 =	simm.s32 $0x280;
	s25 =	rddreg [dreg:$0x8]  }
0x22: {  	[tilespmem:s25], [sflag:$0x1] =	stream.indirect.gather [hbm4b:s1+s8], $0x80, s28, s8, $0xb8;
	[tilespmem:$0x10000] =	vst v63  }
0x23: {  	s29 =	rddreg [dreg:$0x9];
	s30 =	simm.s32 $0x300  }
0x24: {  	[tilespmem:s29], [sflag:$0x1] =	stream.indirect.gather [hbm4b:s1+s8], $0x80, s30, s8, $0xb8;
	[tilespmem:$0x10000] =	vst v63  }
0x25: {  	s31 =	rddreg [dreg:$0xa];
	s22 =	simm.s32 $0x380  }
0x26: {  	[tilespmem:s31], [sflag:$0x1] =	stream.indirect.gather [hbm4b:s1+s8], $0x80, s22, s8, $0xb8;
	[tilespmem:$0x10000] =	vst v63  }
0x27: {  	s23 =	simm.s32 $0x400  }
0x28: {  	[tilespmem:s10], [sflag:$0x1] =	stream.indirect.gather [hbm4b:s1+s8], $0x80, s23, s8, $0xb8;
	[tilespmem:$0x10000] =	vst v63  }
0x29: {  	s24 =	simm.s32 $0x480  }
0x2a: {  	[tilespmem:s11], [sflag:$0x1] =	stream.indirect.gather [hbm4b:s1+s8], $0x80, s24, s8, $0xb8;
	[tilespmem:$0x10000] =	vst v63  }
0x2b: {  	s25 =	simm.s32 $0x500  }
0x2c: {  	[tilespmem:s12], [sflag:$0x1] =	stream.indirect.gather [hbm4b:s1+s8], $0x80, s25, s8, $0xb8;
	[tilespmem:$0x10000] =	vst v63  }
0x2d: {  	s26 =	simm.s32 $0x580  }
0x2e: {  	[tilespmem:s13], [sflag:$0x1] =	stream.indirect.gather [hbm4b:s1+s8], $0x80, s26, s8, $0xb8;
	[tilespmem:$0x10000] =	vst v63  }
0x2f: {  	s28 =	simm.s32 $0x600  }
0x30: {  	[tilespmem:s14], [sflag:$0x1] =	stream.indirect.gather [hbm4b:s1+s8], $0x80, s28, s8, $0xb8;
	[tilespmem:$0x10000] =	vst v63  }
0x31: {  	s29 =	simm.s32 $0x680  }
0x32: {  	[tilespmem:s15], [sflag:$0x1] =	stream.indirect.gather [hbm4b:s1+s8], $0x80, s29, s8, $0xb8;
	[tilespmem:$0x10000] =	vst v63  }
0x33: {  	s30 =	simm.s32 $0x700  }
0x34: {  	[tilespmem:s16], [sflag:$0x1] =	stream.indirect.gather [hbm4b:s1+s8], $0x80, s30, s8, $0xb8;
	[tilespmem:$0x10000] =	vst v63  }
0x35: {  	s31 =	simm.s32 $0x780  }
0x36: {  	[tilespmem:s17], [sflag:$0x1] =	stream.indirect.gather [hbm4b:s1+s8], $0x80, s31, s8, $0xb8;
	[tilespmem:$0x10000] =	vst v63  }
0x37: {  	_ =	swait.ge [sflag:s18], $0x800  }
0x38: {  	[sflag:s18] =	ssyncset.done $0x0  }
0x39: {  	[sflag:s18] =	ssyncadd.s32 $0xFFFFF800  }
0x3a: {  	_ =	swait.ge [sflag:s18], $0x800  }
0x3b: {  	[sflag:s18] =	ssyncset.done $0x0  }
0x3c: {  	[sflag:s18] =	ssyncadd.s32 $0xFFFFF800  }
0x3d: {  	_ =	swait.ge [sflag:s18], $0x800  }
0x3e: {  	[sflag:s18] =	ssyncset.done $0x0  }
0x3f: {  	[sflag:s18] =	ssyncadd.s32 $0xFFFFF800  }
0x40: {  	_ =	swait.ge [sflag:s18], $0x800  }
0x41: {  	[sflag:s18] =	ssyncset.done $0x0  }
0x42: {  	[sflag:s18] =	ssyncadd.s32 $0xFFFFF800  }
0x43: {  	_ =	swait.ge [sflag:s18], $0x800  }
0x44: {  	[sflag:s18] =	ssyncset.done $0x0  }
0x45: {  	[sflag:s18] =	ssyncadd.s32 $0xFFFFF800  }
0x46: {  	_ =	swait.ge [sflag:s18], $0x800  }
0x47: {  	[sflag:s18] =	ssyncset.done $0x0  }
0x48: {  	[sflag:s18] =	ssyncadd.s32 $0xFFFFF800  }
0x49: {  	_ =	swait.ge [sflag:s18], $0x800  }
0x4a: {  	[sflag:s18] =	ssyncset.done $0x0  }
0x4b: {  	[sflag:s18] =	ssyncadd.s32 $0xFFFFF800  }
0x4c: {  	_ =	swait.ge [sflag:s18], $0x800  }
0x4d: {  	[sflag:s18] =	ssyncset.done $0x0  }
0x4e: {  	[sflag:s18] =	ssyncadd.s32 $0xFFFFF800  }
0x4f: {  	_ =	swait.ge [sflag:s18], $0x800  }
0x50: {  	[sflag:s18] =	ssyncset.done $0x0  }
0x51: {  	[sflag:s18] =	ssyncadd.s32 $0xFFFFF800  }
0x52: {  	_ =	swait.ge [sflag:s18], $0x800  }
0x53: {  	[sflag:s18] =	ssyncset.done $0x0  }
0x54: {  	[sflag:s18] =	ssyncadd.s32 $0xFFFFF800  }
0x55: {  	_ =	swait.ge [sflag:s18], $0x800  }
0x56: {  	[sflag:s18] =	ssyncset.done $0x0  }
0x57: {  	[sflag:s18] =	ssyncadd.s32 $0xFFFFF800  }
0x58: {  	_ =	swait.ge [sflag:s18], $0x800  }
0x59: {  	[sflag:s18] =	ssyncset.done $0x0  }
0x5a: {  	[sflag:s18] =	ssyncadd.s32 $0xFFFFF800  }
0x5b: {  	_ =	swait.ge [sflag:s18], $0x800  }
0x5c: {  	[sflag:s18] =	ssyncset.done $0x0  }
0x5d: {  	[sflag:s18] =	ssyncadd.s32 $0xFFFFF800  }
0x5e: {  	_ =	swait.ge [sflag:s18], $0x800  }
0x5f: {  	[sflag:s18] =	ssyncset.done $0x0  }
0x60: {  	[sflag:s18] =	ssyncadd.s32 $0xFFFFF800  }
0x61: {  	_ =	swait.ge [sflag:s18], $0x800  }
0x62: {  	[sflag:s18] =	ssyncset.done $0x0  }
0x63: {  	[sflag:s18] =	ssyncadd.s32 $0xFFFFF800  }
0x64: {  	_ =	swait.ge [sflag:s18], $0x800  }
0x65: {  	[sflag:s18] =	ssyncset.done $0x0  }
0x66: {  	s20 =	sadd.s32 $0x1000, s6;
	[sflag:s18] =	ssyncadd.s32 $0xFFFFF800  }
0x67: {  	[hbm4b:s6+s3] =	stream.linear.scatter [tilespmem:s9], [sflag:$0x2], $0x8000, $0x38;
	[tilespmem:$0x10000] =	vst v63  }
0x68: {  	s21 =	simm.s32 $0x2000;
	s22 =	simm.s32 $0x4000;
	_ =	swait.ge [sflag:s7], $0x8000  }
.LBB2_2:
0x69: {  	[sflag:s7] =	ssyncset.done $0x0  }
0x6a: {  	s23 =	sshra.s32 s21, $0x2;
	[sflag:s7] =	ssyncadd.s32 $0xFFFF8000  }
0x6b: {  	[tilespmem:s9], [sflag:$0x1] =	stream.indirect.gather [hbm4b:s1+s8], $0x80, s23, s8, $0xb8;
	[tilespmem:$0x10000] =	vst v63  }
0x6c: {  	s24 =	rddreg [dreg:$0x4];
	s25 =	sadd.s32 $0x80, s23  }
0x6d: {  	[tilespmem:s24], [sflag:$0x1] =	stream.indirect.gather [hbm4b:s1+s8], $0x80, s25, s8, $0xb8;
	[tilespmem:$0x10000] =	vst v63  }
0x6e: {  	s28 =	rddreg [dreg:$0x5];
	s30 =	sadd.s32 $0x100, s23  }
0x6f: {  	[tilespmem:s28], [sflag:$0x1] =	stream.indirect.gather [hbm4b:s1+s8], $0x80, s30, s8, $0xb8;
	[tilespmem:$0x10000] =	vst v63  }
0x70: {  	s26 =	rddreg [dreg:$0x6];
	s31 =	sadd.s32 $0x180, s23  }
0x71: {  	[tilespmem:s26], [sflag:$0x1] =	stream.indirect.gather [hbm4b:s1+s8], $0x80, s31, s8, $0xb8;
	[tilespmem:$0x10000] =	vst v63  }
0x72: {  	s24 =	sadd.s32 $0x200, s23;
	s30 =	rddreg [dreg:$0x7]  }
0x73: {  	[tilespmem:s30], [sflag:$0x1] =	stream.indirect.gather [hbm4b:s1+s8], $0x80, s24, s8, $0xb8;
	[tilespmem:$0x10000] =	vst v63  }
0x74: {  	s29 =	rddreg [dreg:$0x8];
	s31 =	sadd.s32 $0x280, s23  }
0x75: {  	[tilespmem:s29], [sflag:$0x1] =	stream.indirect.gather [hbm4b:s1+s8], $0x80, s31, s8, $0xb8;
	[tilespmem:$0x10000] =	vst v63  }
0x76: {  	s26 =	rddreg [dreg:$0x9];
	s30 =	sadd.s32 $0x300, s23  }
0x77: {  	[tilespmem:s26], [sflag:$0x1] =	stream.indirect.gather [hbm4b:s1+s8], $0x80, s30, s8, $0xb8;
	[tilespmem:$0x10000] =	vst v63  }
0x78: {  	s31 =	sadd.s32 $0x380, s23;
	s29 =	rddreg [dreg:$0xa]  }
0x79: {  	[tilespmem:s29], [sflag:$0x1] =	stream.indirect.gather [hbm4b:s1+s8], $0x80, s31, s8, $0xb8;
	[tilespmem:$0x10000] =	vst v63  }
0x7a: {  	s30 =	sadd.s32 $0x400, s23  }
0x7b: {  	[tilespmem:s10], [sflag:$0x1] =	stream.indirect.gather [hbm4b:s1+s8], $0x80, s30, s8, $0xb8;
	[tilespmem:$0x10000] =	vst v63  }
0x7c: {  	s31 =	sadd.s32 $0x480, s23  }
0x7d: {  	[tilespmem:s11], [sflag:$0x1] =	stream.indirect.gather [hbm4b:s1+s8], $0x80, s31, s8, $0xb8;
	[tilespmem:$0x10000] =	vst v63  }
0x7e: {  	s26 =	sadd.s32 $0x500, s23  }
0x7f: {  	[tilespmem:s12], [sflag:$0x1] =	stream.indirect.gather [hbm4b:s1+s8], $0x80, s26, s8, $0xb8;
	[tilespmem:$0x10000] =	vst v63  }
0x80: {  	s28 =	sadd.s32 $0x580, s23  }
0x81: {  	[tilespmem:s13], [sflag:$0x1] =	stream.indirect.gather [hbm4b:s1+s8], $0x80, s28, s8, $0xb8;
	[tilespmem:$0x10000] =	vst v63  }
0x82: {  	s29 =	sadd.s32 $0x600, s23  }
0x83: {  	[tilespmem:s14], [sflag:$0x1] =	stream.indirect.gather [hbm4b:s1+s8], $0x80, s29, s8, $0xb8;
	[tilespmem:$0x10000] =	vst v63  }
0x84: {  	s30 =	sadd.s32 $0x680, s23  }
0x85: {  	[tilespmem:s15], [sflag:$0x1] =	stream.indirect.gather [hbm4b:s1+s8], $0x80, s30, s8, $0xb8;
	[tilespmem:$0x10000] =	vst v63  }
0x86: {  	s31 =	sadd.s32 $0x700, s23  }
0x87: {  	[tilespmem:s16], [sflag:$0x1] =	stream.indirect.gather [hbm4b:s1+s8], $0x80, s31, s8, $0xb8;
	[tilespmem:$0x10000] =	vst v63  }
0x88: {  	s23 =	sadd.s32 $0x780, s23  }
0x89: {  	[tilespmem:s17], [sflag:$0x1] =	stream.indirect.gather [hbm4b:s1+s8], $0x80, s23, s8, $0xb8;
	[tilespmem:$0x10000] =	vst v63  }
0x8a: {  	_ =	swait.ge [sflag:s18], $0x800  }
0x8b: {  	[sflag:s18] =	ssyncset.done $0x0  }
0x8c: {  	[sflag:s18] =	ssyncadd.s32 $0xFFFFF800  }
0x8d: {  	_ =	swait.ge [sflag:s18], $0x800  }
0x8e: {  	[sflag:s18] =	ssyncset.done $0x0  }
0x8f: {  	[sflag:s18] =	ssyncadd.s32 $0xFFFFF800  }
0x90: {  	_ =	swait.ge [sflag:s18], $0x800  }
0x91: {  	[sflag:s18] =	ssyncset.done $0x0  }
0x92: {  	[sflag:s18] =	ssyncadd.s32 $0xFFFFF800  }
0x93: {  	_ =	swait.ge [sflag:s18], $0x800  }
0x94: {  	[sflag:s18] =	ssyncset.done $0x0  }
0x95: {  	[sflag:s18] =	ssyncadd.s32 $0xFFFFF800  }
0x96: {  	_ =	swait.ge [sflag:s18], $0x800  }
0x97: {  	[sflag:s18] =	ssyncset.done $0x0  }
0x98: {  	[sflag:s18] =	ssyncadd.s32 $0xFFFFF800  }
0x99: {  	_ =	swait.ge [sflag:s18], $0x800  }
0x9a: {  	[sflag:s18] =	ssyncset.done $0x0  }
0x9b: {  	[sflag:s18] =	ssyncadd.s32 $0xFFFFF800  }
0x9c: {  	_ =	swait.ge [sflag:s18], $0x800  }
0x9d: {  	[sflag:s18] =	ssyncset.done $0x0  }
0x9e: {  	[sflag:s18] =	ssyncadd.s32 $0xFFFFF800  }
0x9f: {  	_ =	swait.ge [sflag:s18], $0x800  }
0xa0: {  	[sflag:s18] =	ssyncset.done $0x0  }
0xa1: {  	[sflag:s18] =	ssyncadd.s32 $0xFFFFF800  }
0xa2: {  	_ =	swait.ge [sflag:s18], $0x800  }
0xa3: {  	[sflag:s18] =	ssyncset.done $0x0  }
0xa4: {  	[sflag:s18] =	ssyncadd.s32 $0xFFFFF800  }
0xa5: {  	_ =	swait.ge [sflag:s18], $0x800  }
0xa6: {  	[sflag:s18] =	ssyncset.done $0x0  }
0xa7: {  	[sflag:s18] =	ssyncadd.s32 $0xFFFFF800  }
0xa8: {  	_ =	swait.ge [sflag:s18], $0x800  }
0xa9: {  	[sflag:s18] =	ssyncset.done $0x0  }
0xaa: {  	[sflag:s18] =	ssyncadd.s32 $0xFFFFF800  }
0xab: {  	_ =	swait.ge [sflag:s18], $0x800  }
0xac: {  	[sflag:s18] =	ssyncset.done $0x0  }
0xad: {  	[sflag:s18] =	ssyncadd.s32 $0xFFFFF800  }
0xae: {  	_ =	swait.ge [sflag:s18], $0x800  }
0xaf: {  	[sflag:s18] =	ssyncset.done $0x0  }
0xb0: {  	[sflag:s18] =	ssyncadd.s32 $0xFFFFF800  }
0xb1: {  	_ =	swait.ge [sflag:s18], $0x800  }
0xb2: {  	[sflag:s18] =	ssyncset.done $0x0  }
0xb3: {  	[sflag:s18] =	ssyncadd.s32 $0xFFFFF800  }
0xb4: {  	_ =	swait.ge [sflag:s18], $0x800  }
0xb5: {  	[sflag:s18] =	ssyncset.done $0x0  }
0xb6: {  	p0 =	sne.s32 s22, $0x1E000;
	[sflag:s18] =	ssyncadd.s32 $0xFFFFF800  }
.Ltmp0:
0xb7: {  	_ =	swait.ge [sflag:s18], $0x800;
	(pc) =	sbr.rel @p0 .LBB2_2-.Ltmp0, $4  }
0xb8: {  	[sflag:s18] =	ssyncset.done $0x0  }
0xb9: {  	s21 =	smov.u32 s22;
	[sflag:s18] =	ssyncadd.s32 $0xFFFFF800  }
0xba: {  	[hbm4b:s20+s3] =	stream.linear.scatter [tilespmem:s9], [sflag:$0x2], $0x8000, $0x38;
	[tilespmem:$0x10000] =	vst v63  }
0xbb: {  	s22 =	sadd.s32 $0x2000, s22;
	s20 =	sadd.s32 $0x1000, s20;
	_ =	swait.ge [sflag:s7], $0x8000  }
0xbc: {  	[sflag:s7] =	ssyncset.done $0x0  }
0xbd: {  	s21 =	sshra.s32 s21, $0x2;
	[sflag:s7] =	ssyncadd.s32 $0xFFFF8000  }
0xbe: {  	[tilespmem:s9], [sflag:$0x1] =	stream.indirect.gather [hbm4b:s1+s8], $0x80, s21, s8, $0xb8;
	[tilespmem:$0x10000] =	vst v63  }
0xbf: {  	s22 =	rddreg [dreg:$0x4];
	s23 =	sadd.s32 $0x80, s21  }
0xc0: {  	[tilespmem:s22], [sflag:$0x1] =	stream.indirect.gather [hbm4b:s1+s8], $0x80, s23, s8, $0xb8;
	[tilespmem:$0x10000] =	vst v63  }
0xc1: {  	s24 =	rddreg [dreg:$0x5];
	s28 =	sadd.s32 $0x100, s21  }
0xc2: {  	[tilespmem:s24], [sflag:$0x1] =	stream.indirect.gather [hbm4b:s1+s8], $0x80, s28, s8, $0xb8;
	[tilespmem:$0x10000] =	vst v63  }
0xc3: {  	s26 =	rddreg [dreg:$0x6];
	s29 =	sadd.s32 $0x180, s21  }
0xc4: {  	[tilespmem:s26], [sflag:$0x1] =	stream.indirect.gather [hbm4b:s1+s8], $0x80, s29, s8, $0xb8;
	[tilespmem:$0x10000] =	vst v63  }
0xc5: {  	s30 =	rddreg [dreg:$0x7];
	s25 =	sadd.s32 $0x200, s21  }
0xc6: {  	[tilespmem:s30], [sflag:$0x1] =	stream.indirect.gather [hbm4b:s1+s8], $0x80, s25, s8, $0xb8;
	[tilespmem:$0x10000] =	vst v63  }
0xc7: {  	s31 =	rddreg [dreg:$0x8];
	s26 =	sadd.s32 $0x280, s21  }
0xc8: {  	[tilespmem:s31], [sflag:$0x1] =	stream.indirect.gather [hbm4b:s1+s8], $0x80, s26, s8, $0xb8;
	[tilespmem:$0x10000] =	vst v63  }
0xc9: {  	s28 =	rddreg [dreg:$0x9];
	s29 =	sadd.s32 $0x300, s21  }
0xca: {  	[tilespmem:s28], [sflag:$0x1] =	stream.indirect.gather [hbm4b:s1+s8], $0x80, s29, s8, $0xb8;
	[tilespmem:$0x10000] =	vst v63  }
0xcb: {  	s30 =	rddreg [dreg:$0xa];
	s31 =	sadd.s32 $0x380, s21  }
0xcc: {  	[tilespmem:s30], [sflag:$0x1] =	stream.indirect.gather [hbm4b:s1+s8], $0x80, s31, s8, $0xb8;
	[tilespmem:$0x10000] =	vst v63  }
0xcd: {  	s24 =	sadd.s32 $0x400, s21  }
0xce: {  	[tilespmem:s10], [sflag:$0x1] =	stream.indirect.gather [hbm4b:s1+s8], $0x80, s24, s8, $0xb8;
	[tilespmem:$0x10000] =	vst v63  }
0xcf: {  	s25 =	sadd.s32 $0x480, s21  }
0xd0: {  	[tilespmem:s11], [sflag:$0x1] =	stream.indirect.gather [hbm4b:s1+s8], $0x80, s25, s8, $0xb8;
	[tilespmem:$0x10000] =	vst v63  }
0xd1: {  	s26 =	sadd.s32 $0x500, s21  }
0xd2: {  	[tilespmem:s12], [sflag:$0x1] =	stream.indirect.gather [hbm4b:s1+s8], $0x80, s26, s8, $0xb8;
	[tilespmem:$0x10000] =	vst v63  }
0xd3: {  	s28 =	sadd.s32 $0x580, s21  }
0xd4: {  	[tilespmem:s13], [sflag:$0x1] =	stream.indirect.gather [hbm4b:s1+s8], $0x80, s28, s8, $0xb8;
	[tilespmem:$0x10000] =	vst v63  }
0xd5: {  	s29 =	sadd.s32 $0x600, s21  }
0xd6: {  	[tilespmem:s14], [sflag:$0x1] =	stream.indirect.gather [hbm4b:s1+s8], $0x80, s29, s8, $0xb8;
	[tilespmem:$0x10000] =	vst v63  }
0xd7: {  	s30 =	sadd.s32 $0x680, s21  }
0xd8: {  	[tilespmem:s15], [sflag:$0x1] =	stream.indirect.gather [hbm4b:s1+s8], $0x80, s30, s8, $0xb8;
	[tilespmem:$0x10000] =	vst v63  }
0xd9: {  	s31 =	sadd.s32 $0x700, s21  }
0xda: {  	[tilespmem:s16], [sflag:$0x1] =	stream.indirect.gather [hbm4b:s1+s8], $0x80, s31, s8, $0xb8;
	[tilespmem:$0x10000] =	vst v63  }
0xdb: {  	s21 =	sadd.s32 $0x780, s21  }
0xdc: {  	[tilespmem:s17], [sflag:$0x1] =	stream.indirect.gather [hbm4b:s1+s8], $0x80, s21, s8, $0xb8;
	[tilespmem:$0x10000] =	vst v63  }
0xdd: {  	_ =	swait.ge [sflag:s18], $0x800  }
0xde: {  	[sflag:s18] =	ssyncset.done $0x0  }
0xdf: {  	[sflag:s18] =	ssyncadd.s32 $0xFFFFF800  }
0xe0: {  	_ =	swait.ge [sflag:s18], $0x800  }
0xe1: {  	[sflag:s18] =	ssyncset.done $0x0  }
0xe2: {  	[sflag:s18] =	ssyncadd.s32 $0xFFFFF800  }
0xe3: {  	_ =	swait.ge [sflag:s18], $0x800  }
0xe4: {  	[sflag:s18] =	ssyncset.done $0x0  }
0xe5: {  	[sflag:s18] =	ssyncadd.s32 $0xFFFFF800  }
0xe6: {  	_ =	swait.ge [sflag:s18], $0x800  }
0xe7: {  	[sflag:s18] =	ssyncset.done $0x0  }
0xe8: {  	[sflag:s18] =	ssyncadd.s32 $0xFFFFF800  }
0xe9: {  	_ =	swait.ge [sflag:s18], $0x800  }
0xea: {  	[sflag:s18] =	ssyncset.done $0x0  }
0xeb: {  	[sflag:s18] =	ssyncadd.s32 $0xFFFFF800  }
0xec: {  	_ =	swait.ge [sflag:s18], $0x800  }
0xed: {  	[sflag:s18] =	ssyncset.done $0x0  }
0xee: {  	[sflag:s18] =	ssyncadd.s32 $0xFFFFF800  }
0xef: {  	_ =	swait.ge [sflag:s18], $0x800  }
0xf0: {  	[sflag:s18] =	ssyncset.done $0x0  }
0xf1: {  	[sflag:s18] =	ssyncadd.s32 $0xFFFFF800  }
0xf2: {  	_ =	swait.ge [sflag:s18], $0x800  }
0xf3: {  	[sflag:s18] =	ssyncset.done $0x0  }
0xf4: {  	[sflag:s18] =	ssyncadd.s32 $0xFFFFF800  }
0xf5: {  	_ =	swait.ge [sflag:s18], $0x800  }
0xf6: {  	[sflag:s18] =	ssyncset.done $0x0  }
0xf7: {  	[sflag:s18] =	ssyncadd.s32 $0xFFFFF800  }
0xf8: {  	_ =	swait.ge [sflag:s18], $0x800  }
0xf9: {  	[sflag:s18] =	ssyncset.done $0x0  }
0xfa: {  	[sflag:s18] =	ssyncadd.s32 $0xFFFFF800  }
0xfb: {  	_ =	swait.ge [sflag:s18], $0x800  }
0xfc: {  	[sflag:s18] =	ssyncset.done $0x0  }
0xfd: {  	[sflag:s18] =	ssyncadd.s32 $0xFFFFF800  }
0xfe: {  	_ =	swait.ge [sflag:s18], $0x800  }
0xff: {  	[sflag:s18] =	ssyncset.done $0x0  }
0x100: {  	[sflag:s18] =	ssyncadd.s32 $0xFFFFF800  }
0x101: {  	_ =	swait.ge [sflag:s18], $0x800  }
0x102: {  	[sflag:s18] =	ssyncset.done $0x0  }
0x103: {  	[sflag:s18] =	ssyncadd.s32 $0xFFFFF800  }
0x104: {  	_ =	swait.ge [sflag:s18], $0x800  }
0x105: {  	[sflag:s18] =	ssyncset.done $0x0  }
0x106: {  	[sflag:s18] =	ssyncadd.s32 $0xFFFFF800  }
0x107: {  	_ =	swait.ge [sflag:s18], $0x800  }
0x108: {  	[sflag:s18] =	ssyncset.done $0x0  }
0x109: {  	[sflag:s18] =	ssyncadd.s32 $0xFFFFF800  }
0x10a: {  	s19 =	sadd.s32 $0x1, s19;
	_ =	swait.ge [sflag:s18], $0x800  }
0x10b: {  	p0 =	sne.s32 s19, s5;
	[sflag:s18] =	ssyncset.done $0x0  }
.Ltmp1:
0x10c: {  	[sflag:s18] =	ssyncadd.s32 $0xFFFFF800;
	(pc) =	sbr.rel @p0 .LBB2_1-.Ltmp1, $4  }
0x10d: {  	[hbm4b:s20+s3] =	stream.linear.scatter [tilespmem:s9], [sflag:$0x2], $0x8000, $0x38;
	[tilespmem:$0x10000] =	vst v63  }
0x10e: {  	_ =	swait.ge [sflag:s7], $0x8000  }
0x10f: {  	[sflag:s7] =	ssyncset.done $0x0  }
0x110: {  	[sflag:s7] =	ssyncadd.s32 $0xFFFF8000  }
0x111: {  	_ =	sfence.sel $0x180000  }
0x112: {  	[bflag:$0x0] =	sbarrier.arrive $0xFFFF  }
0x113: {  	p0 =	sne.s32 s2, $0x0;
	_ =	strace $0x90000047  }
0x114: {  	s0 =	sadd.s32 @!p0 $0x100000, s0;
	[bflag:$0x2] =	sbarrier.arrive $0xFFFF  }
0x115: {  	[sflag:s0] =	ssyncadd.tile.s32 @!p0 $0x1;
	_ =	shalt  }
.Lfunc_end2:
_tile_overlayer_lowered:
.L_overlay_start_2:
0x116: {  	(tag) =	ssettag $0x2  }
0x117: {  	s0 =	rddreg [dreg:$0x0];
	s2 =	stileid.u32  }
0x118: {  	s1 =	rddreg [dreg:$0x1];
	p0 =	sne.s32 s2, $0x0  }
0x119: {  	s3 =	rddreg [dreg:$0x2];
	[bflag:$0x3] =	sbarrier.arrive $0xFFFF;
	s2 =	simm.s32 @!p0 $0x1C02  }
0x11a: {  	[timem:s3], [sflag:s2] =	dma.local @!p0 [hbm:s0], s1  }
0x11b: {  	s0 =	simm.s32 @!p0 $0x2  }
0x11c: {  	_ =	swait.ge @!p0 [sflag:s0], s1  }
0x11d: {  	s1 =	ssub.s32 @!p0 $0x0, s1;
	[sflag:s0] =	ssyncset.done @!p0 $0x0  }
0x11e: {  	[sflag:s0] =	ssyncadd.s32 @!p0 s1  }
0x11f: {  	[bflag:$0x3] =	sbarrier.arrive $0xFFFF  }
0x120: {  	_ =	shalt  }

</sc_bundles>
